<compile_context>
chip_gen: v7x
topology: tpu7x:2x2x1
jax: 0.10.2.dev20260603
libtpu: 0.0.44.dev20260713+nightly
codegen_flags: <defaults>
</compile_context>

<pallas_src>
import functools

import jax
import jax.numpy as jnp
from jax import lax
from jax.experimental import pallas as pl
from jax.experimental.pallas import tpu as pltpu
from jax.experimental.pallas import tpu_sc as plsc

NC = 2
NS = 16
NW = NC * NS

CHUNK = 128
NBUF = 8
K_AHEAD = 6


@functools.partial(jax.jit, static_argnums=(2, 3))
def _sc_gather(ids_flat, table, total, d):
    rows_per_w = total // NW
    nchunk = rows_per_w // CHUNK
    assert nchunk % NBUF == 0 and nchunk >= 2 * NBUF

    mesh = plsc.VectorSubcoreMesh(core_axis_name="c", subcore_axis_name="s")

    @functools.partial(
        pl.kernel,
        out_type=jax.ShapeDtypeStruct((total, d), jnp.float32),
        mesh=mesh,
        scratch_types=(
            [pltpu.VMEM((rows_per_w,), jnp.int32)]
            + [pltpu.VMEM((CHUNK, d), jnp.float32) for _ in range(NBUF)]
            + [pltpu.SemaphoreType.DMA for _ in range(2 * NBUF)]
        ),
        compiler_params=pltpu.CompilerParams(use_tc_tiling_on_sc=False),
    )
    def body(ids_hbm, table_hbm, out_hbm, idx_v, *rest):
        bufs = rest[:NBUF]
        gsems = rest[NBUF:2 * NBUF]
        wsems = rest[2 * NBUF:]

        wid = lax.axis_index("s") * NC + lax.axis_index("c")
        base = wid * rows_per_w
        pltpu.sync_copy(ids_hbm.at[pl.ds(base, rows_per_w)], idx_v)

        def start_gather(c, b):
            pltpu.async_copy(
                table_hbm.at[idx_v.at[pl.ds(c * CHUNK, CHUNK)]],
                bufs[b], gsems[b])

        def wait_gather(b):
            pltpu.make_async_copy(
                table_hbm.at[idx_v.at[pl.ds(0, CHUNK)]],
                bufs[b], gsems[b]).wait()

        def start_writeback(c, b):
            pltpu.async_copy(
                bufs[b], out_hbm.at[pl.ds(base + c * CHUNK, CHUNK)],
                wsems[b])

        def wait_writeback(b):
            pltpu.make_async_copy(
                bufs[b], out_hbm.at[pl.ds(base, CHUNK)], wsems[b]).wait()

        for c in range(K_AHEAD):
            start_gather(c, c)

        @pl.loop(0, nchunk // NBUF)
        def _outer(o):
            for b in range(NBUF):
                c = o * NBUF + b
                nb = (b + K_AHEAD) % NBUF
                ahead = c + K_AHEAD

                @pl.when(jnp.logical_and(ahead >= NBUF, ahead < nchunk))
                def _steady():
                    wait_writeback(nb)
                    start_gather(ahead, nb)

                @pl.when(ahead < NBUF)
                def _warmup():
                    start_gather(ahead, nb)

                wait_gather(b)
                start_writeback(c, b)

        for b in range(NBUF):
            wait_writeback(b)

    return body(ids_flat, table)


def kernel(ids, embd):
    b, f = ids.shape
    v, d = embd.shape
    total = b * f
    ids_flat = ids.reshape(total).astype(jnp.int32)
    out = _sc_gather(ids_flat, embd, total, d)
    return out.reshape(b, f, d)

# --- scband reference (transcript-rebuilt; emitter-appended) ---
"""Pipeline reference for scband-embedding-29643864277509 (READ-ONLY COPY).

The authoritative reference and input builder live on the scoring server;
editing this copy changes nothing except your own understanding.
"""

import jax, jax.numpy as jnp
import numpy as np

NUM_EMBD = 1000000
D_EMBD = 64
BATCH = 16384
FIELDS = 26

def setup_inputs(seed: int = 0) -> dict:
    key = jax.random.key(seed)
    k_ids, k_embd = jax.random.split(key)
    ids = jax.random.randint(k_ids, (BATCH, FIELDS), 0, NUM_EMBD, dtype=jnp.int64 if jax.config.jax_enable_x64 else jnp.int32)
    # trunc_normal init with sigma=1.0, clipped to [-3, 3]
    embd = jax.random.truncated_normal(k_embd, -3.0, 3.0, (NUM_EMBD, D_EMBD), dtype=jnp.float32)
    return {"ids": ids, "embd": embd}

def reference(ids, embd):
    # Faithful translation of: return self.embd[ids]
    return jnp.take(embd, ids, axis=0)

if __name__ == "__main__":
    import jax
    _d = setup_inputs()
    print(jax.jit(kernel)(*tuple(_d.values())))

</pallas_src>

<mosaic_0001>
#map = affine_map<(d0, d1) -> (0)>
#map1 = affine_map<(d0, d1) -> (0, 0)>
module attributes {stable_mosaic.version = 14 : i64} {
  func.func @body(%arg0: i32, %arg1: i32, %arg2: memref<425984xi32, #tpu.memory_space<hbm>>, %arg3: memref<1000000x64xf32, #tpu.memory_space<hbm>>, %arg4: memref<425984x64xf32, #tpu.memory_space<hbm>>, %arg5: memref<13312xi32, #tpu.memory_space<vmem>>, %arg6: memref<128x64xf32, #tpu.memory_space<vmem>>, %arg7: memref<128x64xf32, #tpu.memory_space<vmem>>, %arg8: memref<128x64xf32, #tpu.memory_space<vmem>>, %arg9: memref<128x64xf32, #tpu.memory_space<vmem>>, %arg10: memref<128x64xf32, #tpu.memory_space<vmem>>, %arg11: memref<128x64xf32, #tpu.memory_space<vmem>>, %arg12: memref<128x64xf32, #tpu.memory_space<vmem>>, %arg13: memref<128x64xf32, #tpu.memory_space<vmem>>, %arg14: memref<!tpu.dma_semaphore, #tpu.memory_space<semaphore_mem>>, %arg15: memref<!tpu.dma_semaphore, #tpu.memory_space<semaphore_mem>>, %arg16: memref<!tpu.dma_semaphore, #tpu.memory_space<semaphore_mem>>, %arg17: memref<!tpu.dma_semaphore, #tpu.memory_space<semaphore_mem>>, %arg18: memref<!tpu.dma_semaphore, #tpu.memory_space<semaphore_mem>>, %arg19: memref<!tpu.dma_semaphore, #tpu.memory_space<semaphore_mem>>, %arg20: memref<!tpu.dma_semaphore, #tpu.memory_space<semaphore_mem>>, %arg21: memref<!tpu.dma_semaphore, #tpu.memory_space<semaphore_mem>>, %arg22: memref<!tpu.dma_semaphore, #tpu.memory_space<semaphore_mem>>, %arg23: memref<!tpu.dma_semaphore, #tpu.memory_space<semaphore_mem>>, %arg24: memref<!tpu.dma_semaphore, #tpu.memory_space<semaphore_mem>>, %arg25: memref<!tpu.dma_semaphore, #tpu.memory_space<semaphore_mem>>, %arg26: memref<!tpu.dma_semaphore, #tpu.memory_space<semaphore_mem>>, %arg27: memref<!tpu.dma_semaphore, #tpu.memory_space<semaphore_mem>>, %arg28: memref<!tpu.dma_semaphore, #tpu.memory_space<semaphore_mem>>, %arg29: memref<!tpu.dma_semaphore, #tpu.memory_space<semaphore_mem>>) attributes {dimension_semantics = [#tpu.dimension_semantics<core_parallel>, #tpu.dimension_semantics<subcore_parallel>], iteration_bounds = array<i64: 2, 16>, scalar_prefetch = 0 : i64, scratch_operands = 25 : i64, tpu.core_type = #tpu.core_type<sc_vector_subcore>, window_params = [{transform_indices = #map}, {transform_indices = #map1}, {transform_indices = #map1}]} {
    %mul3A = arith.constant 2 : i32
    %mul3A_0 = arith.muli %arg1, %mul3A : i32
    %add3A = arith.addi %mul3A_0, %arg0 : i32
    %mul3A_1 = arith.constant 13312 : i32
    %mul3A_2 = arith.muli %add3A, %mul3A_1 : i32
    "tpu.region"() ({
      %run_scoped3A = tpu.sem_alloc : memref<!tpu.dma_semaphore, #tpu.memory_space<semaphore_mem>>
      %dma_start3A_67 = tpu.memref_slice %arg2[%mul3A_2] : memref<425984xi32, #tpu.memory_space<hbm>> -> memref<13312xi32, #tpu.memory_space<hbm>>
      %dma_start3A_68 = tpu.memref_slice %arg2[%mul3A_2] : memref<425984xi32, #tpu.memory_space<hbm>> -> memref<13312xi32, #tpu.memory_space<hbm>>
      tpu.enqueue_dma source(%dma_start3A_68 : memref<13312xi32, #tpu.memory_space<hbm>>) target(%arg5 : memref<13312xi32, #tpu.memory_space<vmem>>) target_semaphore(%run_scoped3A : memref<!tpu.dma_semaphore, #tpu.memory_space<semaphore_mem>>)
      %dma_wait3A_69 = tpu.memref_slice %arg2[%mul3A_2] : memref<425984xi32, #tpu.memory_space<hbm>> -> memref<13312xi32, #tpu.memory_space<hbm>>
      %dma_wait3A_70 = tpu.memref_slice %arg2[%mul3A_2] : memref<425984xi32, #tpu.memory_space<hbm>> -> memref<13312xi32, #tpu.memory_space<hbm>>
      tpu.wait_dma2 semaphore(%run_scoped3A : memref<!tpu.dma_semaphore, #tpu.memory_space<semaphore_mem>>) src(%dma_wait3A_70 : memref<13312xi32, #tpu.memory_space<hbm>>) dst(%arg5 : memref<13312xi32, #tpu.memory_space<vmem>>)
      tpu.yield
    }) : () -> ()
    %dma_start3A = arith.constant 0 : i32
    %dma_start3A_3 = tpu.memref_slice %arg5[%dma_start3A] : memref<13312xi32, #tpu.memory_space<vmem>> -> memref<128xi32, #tpu.memory_space<vmem>>
    %dma_start3A_4 = arith.constant 0 : i32
    %dma_start3A_5 = arith.constant 0 : i32
    %dma_start3A_6 = tpu.memref_slice %arg3[%dma_start3A_4, %dma_start3A_5] : memref<1000000x64xf32, #tpu.memory_space<hbm>> -> memref<1000000x64xf32, #tpu.memory_space<hbm>>
    tpu.enqueue_indirect_dma source(%dma_start3A_6 : memref<1000000x64xf32, #tpu.memory_space<hbm>>) target(%arg6 : memref<128x64xf32, #tpu.memory_space<vmem>>) offsets(%dma_start3A_3 : memref<128xi32, #tpu.memory_space<vmem>>) semaphore(%arg14 : memref<!tpu.dma_semaphore, #tpu.memory_space<semaphore_mem>>)
    %dma_start3A_7 = arith.constant 128 : i32
    %dma_start3A_8 = tpu.memref_slice %arg5[%dma_start3A_7] : memref<13312xi32, #tpu.memory_space<vmem>> -> memref<128xi32, #tpu.memory_space<vmem>>
    %dma_start3A_9 = arith.constant 0 : i32
    %dma_start3A_10 = arith.constant 0 : i32
    %dma_start3A_11 = tpu.memref_slice %arg3[%dma_start3A_9, %dma_start3A_10] : memref<1000000x64xf32, #tpu.memory_space<hbm>> -> memref<1000000x64xf32, #tpu.memory_space<hbm>>
    tpu.enqueue_indirect_dma source(%dma_start3A_11 : memref<1000000x64xf32, #tpu.memory_space<hbm>>) target(%arg7 : memref<128x64xf32, #tpu.memory_space<vmem>>) offsets(%dma_start3A_8 : memref<128xi32, #tpu.memory_space<vmem>>) semaphore(%arg15 : memref<!tpu.dma_semaphore, #tpu.memory_space<semaphore_mem>>)
    %dma_start3A_12 = arith.constant 256 : i32
    %dma_start3A_13 = tpu.memref_slice %arg5[%dma_start3A_12] : memref<13312xi32, #tpu.memory_space<vmem>> -> memref<128xi32, #tpu.memory_space<vmem>>
    %dma_start3A_14 = arith.constant 0 : i32
    %dma_start3A_15 = arith.constant 0 : i32
    %dma_start3A_16 = tpu.memref_slice %arg3[%dma_start3A_14, %dma_start3A_15] : memref<1000000x64xf32, #tpu.memory_space<hbm>> -> memref<1000000x64xf32, #tpu.memory_space<hbm>>
    tpu.enqueue_indirect_dma source(%dma_start3A_16 : memref<1000000x64xf32, #tpu.memory_space<hbm>>) target(%arg8 : memref<128x64xf32, #tpu.memory_space<vmem>>) offsets(%dma_start3A_13 : memref<128xi32, #tpu.memory_space<vmem>>) semaphore(%arg16 : memref<!tpu.dma_semaphore, #tpu.memory_space<semaphore_mem>>)
    %dma_start3A_17 = arith.constant 384 : i32
    %dma_start3A_18 = tpu.memref_slice %arg5[%dma_start3A_17] : memref<13312xi32, #tpu.memory_space<vmem>> -> memref<128xi32, #tpu.memory_space<vmem>>
    %dma_start3A_19 = arith.constant 0 : i32
    %dma_start3A_20 = arith.constant 0 : i32
    %dma_start3A_21 = tpu.memref_slice %arg3[%dma_start3A_19, %dma_start3A_20] : memref<1000000x64xf32, #tpu.memory_space<hbm>> -> memref<1000000x64xf32, #tpu.memory_space<hbm>>
    tpu.enqueue_indirect_dma source(%dma_start3A_21 : memref<1000000x64xf32, #tpu.memory_space<hbm>>) target(%arg9 : memref<128x64xf32, #tpu.memory_space<vmem>>) offsets(%dma_start3A_18 : memref<128xi32, #tpu.memory_space<vmem>>) semaphore(%arg17 : memref<!tpu.dma_semaphore, #tpu.memory_space<semaphore_mem>>)
    %dma_start3A_22 = arith.constant 512 : i32
    %dma_start3A_23 = tpu.memref_slice %arg5[%dma_start3A_22] : memref<13312xi32, #tpu.memory_space<vmem>> -> memref<128xi32, #tpu.memory_space<vmem>>
    %dma_start3A_24 = arith.constant 0 : i32
    %dma_start3A_25 = arith.constant 0 : i32
    %dma_start3A_26 = tpu.memref_slice %arg3[%dma_start3A_24, %dma_start3A_25] : memref<1000000x64xf32, #tpu.memory_space<hbm>> -> memref<1000000x64xf32, #tpu.memory_space<hbm>>
    tpu.enqueue_indirect_dma source(%dma_start3A_26 : memref<1000000x64xf32, #tpu.memory_space<hbm>>) target(%arg10 : memref<128x64xf32, #tpu.memory_space<vmem>>) offsets(%dma_start3A_23 : memref<128xi32, #tpu.memory_space<vmem>>) semaphore(%arg18 : memref<!tpu.dma_semaphore, #tpu.memory_space<semaphore_mem>>)
    %dma_start3A_27 = arith.constant 640 : i32
    %dma_start3A_28 = tpu.memref_slice %arg5[%dma_start3A_27] : memref<13312xi32, #tpu.memory_space<vmem>> -> memref<128xi32, #tpu.memory_space<vmem>>
    %dma_start3A_29 = arith.constant 0 : i32
    %dma_start3A_30 = arith.constant 0 : i32
    %dma_start3A_31 = tpu.memref_slice %arg3[%dma_start3A_29, %dma_start3A_30] : memref<1000000x64xf32, #tpu.memory_space<hbm>> -> memref<1000000x64xf32, #tpu.memory_space<hbm>>
    tpu.enqueue_indirect_dma source(%dma_start3A_31 : memref<1000000x64xf32, #tpu.memory_space<hbm>>) target(%arg11 : memref<128x64xf32, #tpu.memory_space<vmem>>) offsets(%dma_start3A_28 : memref<128xi32, #tpu.memory_space<vmem>>) semaphore(%arg19 : memref<!tpu.dma_semaphore, #tpu.memory_space<semaphore_mem>>)
    %scan3A = arith.constant 0 : i32
    %scan3A_32 = arith.constant 13 : i32
    %scan3A_33 = arith.addi %scan3A, %scan3A_32 : i32
    %scan3A_34 = arith.constant 1 : i32
    scf.for %scan3A_67 = %scan3A to %scan3A_33 step %scan3A_34  : i32 {
      %mul3A_68 = arith.constant 1 : i32
      %mul3A_69 = arith.muli %scan3A_67, %mul3A_68 : i32
      %add3A_70 = arith.constant 0 : i32
      %add3A_71 = arith.addi %add3A_70, %mul3A_69 : i32
      %mul3A_72 = arith.constant 8 : i32
      %mul3A_73 = arith.muli %add3A_71, %mul3A_72 : i32
      %add3A_74 = arith.constant 0 : i32
      %add3A_75 = arith.addi %mul3A_73, %add3A_74 : i32
      %add3A_76 = arith.constant 6 : i32
      %add3A_77 = arith.addi %add3A_75, %add3A_76 : i32
      %ge3A = arith.constant 8 : i32
      %ge3A_78 = arith.cmpi sge, %add3A_77, %ge3A : i32
      %lt3A = arith.constant 104 : i32
      %lt3A_79 = arith.cmpi slt, %add3A_77, %lt3A : i32
      %and3A = arith.andi %ge3A_78, %lt3A_79 : i1
      %convert_element_type3A = arith.extui %and3A : i1 to i32
      %cond3A = arith.constant 0 : i32
      %cond3A_80 = arith.cmpi ne, %convert_element_type3A, %cond3A : i32
      scf.if %cond3A_80 {
        %dma_wait3A_315 = arith.constant 0 : i32
        %dma_wait3A_316 = tpu.memref_slice %arg4[%mul3A_2, %dma_wait3A_315] : memref<425984x64xf32, #tpu.memory_space<hbm>> -> memref<128x64xf32, #tpu.memory_space<hbm>>
        %dma_wait3A_317 = arith.constant 0 : i32
        %dma_wait3A_318 = tpu.memref_slice %arg4[%mul3A_2, %dma_wait3A_317] : memref<425984x64xf32, #tpu.memory_space<hbm>> -> memref<128x64xf32, #tpu.memory_space<hbm>>
        tpu.wait_dma2 semaphore(%arg28 : memref<!tpu.dma_semaphore, #tpu.memory_space<semaphore_mem>>) src(%arg12 : memref<128x64xf32, #tpu.memory_space<vmem>>) dst(%dma_wait3A_318 : memref<128x64xf32, #tpu.memory_space<hbm>>)
        %mul3A_319 = arith.constant 128 : i32
        %mul3A_320 = arith.muli %add3A_77, %mul3A_319 : i32
        %dma_start3A_321 = tpu.memref_slice %arg5[%mul3A_320] : memref<13312xi32, #tpu.memory_space<vmem>> -> memref<128xi32, #tpu.memory_space<vmem>>
        %dma_start3A_322 = arith.constant 0 : i32
        %dma_start3A_323 = arith.constant 0 : i32
        %dma_start3A_324 = tpu.memref_slice %arg3[%dma_start3A_322, %dma_start3A_323] : memref<1000000x64xf32, #tpu.memory_space<hbm>> -> memref<1000000x64xf32, #tpu.memory_space<hbm>>
        tpu.enqueue_indirect_dma source(%dma_start3A_324 : memref<1000000x64xf32, #tpu.memory_space<hbm>>) target(%arg12 : memref<128x64xf32, #tpu.memory_space<vmem>>) offsets(%dma_start3A_321 : memref<128xi32, #tpu.memory_space<vmem>>) semaphore(%arg20 : memref<!tpu.dma_semaphore, #tpu.memory_space<semaphore_mem>>)
      } else {
      }
      %lt3A_81 = arith.constant 8 : i32
      %lt3A_82 = arith.cmpi slt, %add3A_77, %lt3A_81 : i32
      %convert_element_type3A_83 = arith.extui %lt3A_82 : i1 to i32
      %cond3A_84 = arith.constant 0 : i32
      %cond3A_85 = arith.cmpi ne, %convert_element_type3A_83, %cond3A_84 : i32
      scf.if %cond3A_85 {
        %mul3A_315 = arith.constant 128 : i32
        %mul3A_316 = arith.muli %add3A_77, %mul3A_315 : i32
        %dma_start3A_317 = tpu.memref_slice %arg5[%mul3A_316] : memref<13312xi32, #tpu.memory_space<vmem>> -> memref<128xi32, #tpu.memory_space<vmem>>
        %dma_start3A_318 = arith.constant 0 : i32
        %dma_start3A_319 = arith.constant 0 : i32
        %dma_start3A_320 = tpu.memref_slice %arg3[%dma_start3A_318, %dma_start3A_319] : memref<1000000x64xf32, #tpu.memory_space<hbm>> -> memref<1000000x64xf32, #tpu.memory_space<hbm>>
        tpu.enqueue_indirect_dma source(%dma_start3A_320 : memref<1000000x64xf32, #tpu.memory_space<hbm>>) target(%arg12 : memref<128x64xf32, #tpu.memory_space<vmem>>) offsets(%dma_start3A_317 : memref<128xi32, #tpu.memory_space<vmem>>) semaphore(%arg20 : memref<!tpu.dma_semaphore, #tpu.memory_space<semaphore_mem>>)
      } else {
      }
      %dma_wait3A_86 = arith.constant 0 : i32
      %dma_wait3A_87 = tpu.memref_slice %arg5[%dma_wait3A_86] : memref<13312xi32, #tpu.memory_space<vmem>> -> memref<128xi32, #tpu.memory_space<vmem>>
      %dma_wait3A_88 = arith.constant 0 : i32
      %dma_wait3A_89 = arith.constant 0 : i32
      %dma_wait3A_90 = tpu.memref_slice %arg3[%dma_wait3A_88, %dma_wait3A_89] : memref<1000000x64xf32, #tpu.memory_space<hbm>> -> memref<1000000x64xf32, #tpu.memory_space<hbm>>
      tpu.wait_indirect_dma semaphore(%arg14 : memref<!tpu.dma_semaphore, #tpu.memory_space<semaphore_mem>>) src(%dma_wait3A_90 : memref<1000000x64xf32, #tpu.memory_space<hbm>>) dst(%arg6 : memref<128x64xf32, #tpu.memory_space<vmem>>)
      %mul3A_91 = arith.constant 128 : i32
      %mul3A_92 = arith.muli %add3A_75, %mul3A_91 : i32
      %add3A_93 = arith.addi %mul3A_2, %mul3A_92 : i32
      %dma_start3A_94 = arith.constant 0 : i32
      %dma_start3A_95 = tpu.memref_slice %arg4[%add3A_93, %dma_start3A_94] : memref<425984x64xf32, #tpu.memory_space<hbm>> -> memref<128x64xf32, #tpu.memory_space<hbm>>
      %dma_start3A_96 = arith.constant 0 : i32
      %dma_start3A_97 = tpu.memref_slice %arg4[%add3A_93, %dma_start3A_96] : memref<425984x64xf32, #tpu.memory_space<hbm>> -> memref<128x64xf32, #tpu.memory_space<hbm>>
      tpu.enqueue_dma source(%arg6 : memref<128x64xf32, #tpu.memory_space<vmem>>) target(%dma_start3A_97 : memref<128x64xf32, #tpu.memory_space<hbm>>) target_semaphore(%arg22 : memref<!tpu.dma_semaphore, #tpu.memory_space<semaphore_mem>>)
      %mul3A_98 = arith.constant 8 : i32
      %mul3A_99 = arith.muli %add3A_71, %mul3A_98 : i32
      %add3A_100 = arith.constant 1 : i32
      %add3A_101 = arith.addi %mul3A_99, %add3A_100 : i32
      %add3A_102 = arith.constant 6 : i32
      %add3A_103 = arith.addi %add3A_101, %add3A_102 : i32
      %ge3A_104 = arith.constant 8 : i32
      %ge3A_105 = arith.cmpi sge, %add3A_103, %ge3A_104 : i32
      %lt3A_106 = arith.constant 104 : i32
      %lt3A_107 = arith.cmpi slt, %add3A_103, %lt3A_106 : i32
      %and3A_108 = arith.andi %ge3A_105, %lt3A_107 : i1
      %convert_element_type3A_109 = arith.extui %and3A_108 : i1 to i32
      %cond3A_110 = arith.constant 0 : i32
      %cond3A_111 = arith.cmpi ne, %convert_element_type3A_109, %cond3A_110 : i32
      scf.if %cond3A_111 {
        %dma_wait3A_315 = arith.constant 0 : i32
        %dma_wait3A_316 = tpu.memref_slice %arg4[%mul3A_2, %dma_wait3A_315] : memref<425984x64xf32, #tpu.memory_space<hbm>> -> memref<128x64xf32, #tpu.memory_space<hbm>>
        %dma_wait3A_317 = arith.constant 0 : i32
        %dma_wait3A_318 = tpu.memref_slice %arg4[%mul3A_2, %dma_wait3A_317] : memref<425984x64xf32, #tpu.memory_space<hbm>> -> memref<128x64xf32, #tpu.memory_space<hbm>>
        tpu.wait_dma2 semaphore(%arg29 : memref<!tpu.dma_semaphore, #tpu.memory_space<semaphore_mem>>) src(%arg13 : memref<128x64xf32, #tpu.memory_space<vmem>>) dst(%dma_wait3A_318 : memref<128x64xf32, #tpu.memory_space<hbm>>)
        %mul3A_319 = arith.constant 128 : i32
        %mul3A_320 = arith.muli %add3A_103, %mul3A_319 : i32
        %dma_start3A_321 = tpu.memref_slice %arg5[%mul3A_320] : memref<13312xi32, #tpu.memory_space<vmem>> -> memref<128xi32, #tpu.memory_space<vmem>>
        %dma_start3A_322 = arith.constant 0 : i32
        %dma_start3A_323 = arith.constant 0 : i32
        %dma_start3A_324 = tpu.memref_slice %arg3[%dma_start3A_322, %dma_start3A_323] : memref<1000000x64xf32, #tpu.memory_space<hbm>> -> memref<1000000x64xf32, #tpu.memory_space<hbm>>
        tpu.enqueue_indirect_dma source(%dma_start3A_324 : memref<1000000x64xf32, #tpu.memory_space<hbm>>) target(%arg13 : memref<128x64xf32, #tpu.memory_space<vmem>>) offsets(%dma_start3A_321 : memref<128xi32, #tpu.memory_space<vmem>>) semaphore(%arg21 : memref<!tpu.dma_semaphore, #tpu.memory_space<semaphore_mem>>)
      } else {
      }
      %lt3A_112 = arith.constant 8 : i32
      %lt3A_113 = arith.cmpi slt, %add3A_103, %lt3A_112 : i32
      %convert_element_type3A_114 = arith.extui %lt3A_113 : i1 to i32
      %cond3A_115 = arith.constant 0 : i32
      %cond3A_116 = arith.cmpi ne, %convert_element_type3A_114, %cond3A_115 : i32
      scf.if %cond3A_116 {
        %mul3A_315 = arith.constant 128 : i32
        %mul3A_316 = arith.muli %add3A_103, %mul3A_315 : i32
        %dma_start3A_317 = tpu.memref_slice %arg5[%mul3A_316] : memref<13312xi32, #tpu.memory_space<vmem>> -> memref<128xi32, #tpu.memory_space<vmem>>
        %dma_start3A_318 = arith.constant 0 : i32
        %dma_start3A_319 = arith.constant 0 : i32
        %dma_start3A_320 = tpu.memref_slice %arg3[%dma_start3A_318, %dma_start3A_319] : memref<1000000x64xf32, #tpu.memory_space<hbm>> -> memref<1000000x64xf32, #tpu.memory_space<hbm>>
        tpu.enqueue_indirect_dma source(%dma_start3A_320 : memref<1000000x64xf32, #tpu.memory_space<hbm>>) target(%arg13 : memref<128x64xf32, #tpu.memory_space<vmem>>) offsets(%dma_start3A_317 : memref<128xi32, #tpu.memory_space<vmem>>) semaphore(%arg21 : memref<!tpu.dma_semaphore, #tpu.memory_space<semaphore_mem>>)
      } else {
      }
      %dma_wait3A_117 = arith.constant 0 : i32
      %dma_wait3A_118 = tpu.memref_slice %arg5[%dma_wait3A_117] : memref<13312xi32, #tpu.memory_space<vmem>> -> memref<128xi32, #tpu.memory_space<vmem>>
      %dma_wait3A_119 = arith.constant 0 : i32
      %dma_wait3A_120 = arith.constant 0 : i32
      %dma_wait3A_121 = tpu.memref_slice %arg3[%dma_wait3A_119, %dma_wait3A_120] : memref<1000000x64xf32, #tpu.memory_space<hbm>> -> memref<1000000x64xf32, #tpu.memory_space<hbm>>
      tpu.wait_indirect_dma semaphore(%arg15 : memref<!tpu.dma_semaphore, #tpu.memory_space<semaphore_mem>>) src(%dma_wait3A_121 : memref<1000000x64xf32, #tpu.memory_space<hbm>>) dst(%arg7 : memref<128x64xf32, #tpu.memory_space<vmem>>)
      %mul3A_122 = arith.constant 128 : i32
      %mul3A_123 = arith.muli %add3A_101, %mul3A_122 : i32
      %add3A_124 = arith.addi %mul3A_2, %mul3A_123 : i32
      %dma_start3A_125 = arith.constant 0 : i32
      %dma_start3A_126 = tpu.memref_slice %arg4[%add3A_124, %dma_start3A_125] : memref<425984x64xf32, #tpu.memory_space<hbm>> -> memref<128x64xf32, #tpu.memory_space<hbm>>
      %dma_start3A_127 = arith.constant 0 : i32
      %dma_start3A_128 = tpu.memref_slice %arg4[%add3A_124, %dma_start3A_127] : memref<425984x64xf32, #tpu.memory_space<hbm>> -> memref<128x64xf32, #tpu.memory_space<hbm>>
      tpu.enqueue_dma source(%arg7 : memref<128x64xf32, #tpu.memory_space<vmem>>) target(%dma_start3A_128 : memref<128x64xf32, #tpu.memory_space<hbm>>) target_semaphore(%arg23 : memref<!tpu.dma_semaphore, #tpu.memory_space<semaphore_mem>>)
      %mul3A_129 = arith.constant 8 : i32
      %mul3A_130 = arith.muli %add3A_71, %mul3A_129 : i32
      %add3A_131 = arith.constant 2 : i32
      %add3A_132 = arith.addi %mul3A_130, %add3A_131 : i32
      %add3A_133 = arith.constant 6 : i32
      %add3A_134 = arith.addi %add3A_132, %add3A_133 : i32
      %ge3A_135 = arith.constant 8 : i32
      %ge3A_136 = arith.cmpi sge, %add3A_134, %ge3A_135 : i32
      %lt3A_137 = arith.constant 104 : i32
      %lt3A_138 = arith.cmpi slt, %add3A_134, %lt3A_137 : i32
      %and3A_139 = arith.andi %ge3A_136, %lt3A_138 : i1
      %convert_element_type3A_140 = arith.extui %and3A_139 : i1 to i32
      %cond3A_141 = arith.constant 0 : i32
      %cond3A_142 = arith.cmpi ne, %convert_element_type3A_140, %cond3A_141 : i32
      scf.if %cond3A_142 {
        %dma_wait3A_315 = arith.constant 0 : i32
        %dma_wait3A_316 = tpu.memref_slice %arg4[%mul3A_2, %dma_wait3A_315] : memref<425984x64xf32, #tpu.memory_space<hbm>> -> memref<128x64xf32, #tpu.memory_space<hbm>>
        %dma_wait3A_317 = arith.constant 0 : i32
        %dma_wait3A_318 = tpu.memref_slice %arg4[%mul3A_2, %dma_wait3A_317] : memref<425984x64xf32, #tpu.memory_space<hbm>> -> memref<128x64xf32, #tpu.memory_space<hbm>>
        tpu.wait_dma2 semaphore(%arg22 : memref<!tpu.dma_semaphore, #tpu.memory_space<semaphore_mem>>) src(%arg6 : memref<128x64xf32, #tpu.memory_space<vmem>>) dst(%dma_wait3A_318 : memref<128x64xf32, #tpu.memory_space<hbm>>)
        %mul3A_319 = arith.constant 128 : i32
        %mul3A_320 = arith.muli %add3A_134, %mul3A_319 : i32
        %dma_start3A_321 = tpu.memref_slice %arg5[%mul3A_320] : memref<13312xi32, #tpu.memory_space<vmem>> -> memref<128xi32, #tpu.memory_space<vmem>>
        %dma_start3A_322 = arith.constant 0 : i32
        %dma_start3A_323 = arith.constant 0 : i32
        %dma_start3A_324 = tpu.memref_slice %arg3[%dma_start3A_322, %dma_start3A_323] : memref<1000000x64xf32, #tpu.memory_space<hbm>> -> memref<1000000x64xf32, #tpu.memory_space<hbm>>
        tpu.enqueue_indirect_dma source(%dma_start3A_324 : memref<1000000x64xf32, #tpu.memory_space<hbm>>) target(%arg6 : memref<128x64xf32, #tpu.memory_space<vmem>>) offsets(%dma_start3A_321 : memref<128xi32, #tpu.memory_space<vmem>>) semaphore(%arg14 : memref<!tpu.dma_semaphore, #tpu.memory_space<semaphore_mem>>)
      } else {
      }
      %lt3A_143 = arith.constant 8 : i32
      %lt3A_144 = arith.cmpi slt, %add3A_134, %lt3A_143 : i32
      %convert_element_type3A_145 = arith.extui %lt3A_144 : i1 to i32
      %cond3A_146 = arith.constant 0 : i32
      %cond3A_147 = arith.cmpi ne, %convert_element_type3A_145, %cond3A_146 : i32
      scf.if %cond3A_147 {
        %mul3A_315 = arith.constant 128 : i32
        %mul3A_316 = arith.muli %add3A_134, %mul3A_315 : i32
        %dma_start3A_317 = tpu.memref_slice %arg5[%mul3A_316] : memref<13312xi32, #tpu.memory_space<vmem>> -> memref<128xi32, #tpu.memory_space<vmem>>
        %dma_start3A_318 = arith.constant 0 : i32
        %dma_start3A_319 = arith.constant 0 : i32
        %dma_start3A_320 = tpu.memref_slice %arg3[%dma_start3A_318, %dma_start3A_319] : memref<1000000x64xf32, #tpu.memory_space<hbm>> -> memref<1000000x64xf32, #tpu.memory_space<hbm>>
        tpu.enqueue_indirect_dma source(%dma_start3A_320 : memref<1000000x64xf32, #tpu.memory_space<hbm>>) target(%arg6 : memref<128x64xf32, #tpu.memory_space<vmem>>) offsets(%dma_start3A_317 : memref<128xi32, #tpu.memory_space<vmem>>) semaphore(%arg14 : memref<!tpu.dma_semaphore, #tpu.memory_space<semaphore_mem>>)
      } else {
      }
      %dma_wait3A_148 = arith.constant 0 : i32
      %dma_wait3A_149 = tpu.memref_slice %arg5[%dma_wait3A_148] : memref<13312xi32, #tpu.memory_space<vmem>> -> memref<128xi32, #tpu.memory_space<vmem>>
      %dma_wait3A_150 = arith.constant 0 : i32
      %dma_wait3A_151 = arith.constant 0 : i32
      %dma_wait3A_152 = tpu.memref_slice %arg3[%dma_wait3A_150, %dma_wait3A_151] : memref<1000000x64xf32, #tpu.memory_space<hbm>> -> memref<1000000x64xf32, #tpu.memory_space<hbm>>
      tpu.wait_indirect_dma semaphore(%arg16 : memref<!tpu.dma_semaphore, #tpu.memory_space<semaphore_mem>>) src(%dma_wait3A_152 : memref<1000000x64xf32, #tpu.memory_space<hbm>>) dst(%arg8 : memref<128x64xf32, #tpu.memory_space<vmem>>)
      %mul3A_153 = arith.constant 128 : i32
      %mul3A_154 = arith.muli %add3A_132, %mul3A_153 : i32
      %add3A_155 = arith.addi %mul3A_2, %mul3A_154 : i32
      %dma_start3A_156 = arith.constant 0 : i32
      %dma_start3A_157 = tpu.memref_slice %arg4[%add3A_155, %dma_start3A_156] : memref<425984x64xf32, #tpu.memory_space<hbm>> -> memref<128x64xf32, #tpu.memory_space<hbm>>
      %dma_start3A_158 = arith.constant 0 : i32
      %dma_start3A_159 = tpu.memref_slice %arg4[%add3A_155, %dma_start3A_158] : memref<425984x64xf32, #tpu.memory_space<hbm>> -> memref<128x64xf32, #tpu.memory_space<hbm>>
      tpu.enqueue_dma source(%arg8 : memref<128x64xf32, #tpu.memory_space<vmem>>) target(%dma_start3A_159 : memref<128x64xf32, #tpu.memory_space<hbm>>) target_semaphore(%arg24 : memref<!tpu.dma_semaphore, #tpu.memory_space<semaphore_mem>>)
      %mul3A_160 = arith.constant 8 : i32
      %mul3A_161 = arith.muli %add3A_71, %mul3A_160 : i32
      %add3A_162 = arith.constant 3 : i32
      %add3A_163 = arith.addi %mul3A_161, %add3A_162 : i32
      %add3A_164 = arith.constant 6 : i32
      %add3A_165 = arith.addi %add3A_163, %add3A_164 : i32
      %ge3A_166 = arith.constant 8 : i32
      %ge3A_167 = arith.cmpi sge, %add3A_165, %ge3A_166 : i32
      %lt3A_168 = arith.constant 104 : i32
      %lt3A_169 = arith.cmpi slt, %add3A_165, %lt3A_168 : i32
      %and3A_170 = arith.andi %ge3A_167, %lt3A_169 : i1
      %convert_element_type3A_171 = arith.extui %and3A_170 : i1 to i32
      %cond3A_172 = arith.constant 0 : i32
      %cond3A_173 = arith.cmpi ne, %convert_element_type3A_171, %cond3A_172 : i32
      scf.if %cond3A_173 {
        %dma_wait3A_315 = arith.constant 0 : i32
        %dma_wait3A_316 = tpu.memref_slice %arg4[%mul3A_2, %dma_wait3A_315] : memref<425984x64xf32, #tpu.memory_space<hbm>> -> memref<128x64xf32, #tpu.memory_space<hbm>>
        %dma_wait3A_317 = arith.constant 0 : i32
        %dma_wait3A_318 = tpu.memref_slice %arg4[%mul3A_2, %dma_wait3A_317] : memref<425984x64xf32, #tpu.memory_space<hbm>> -> memref<128x64xf32, #tpu.memory_space<hbm>>
        tpu.wait_dma2 semaphore(%arg23 : memref<!tpu.dma_semaphore, #tpu.memory_space<semaphore_mem>>) src(%arg7 : memref<128x64xf32, #tpu.memory_space<vmem>>) dst(%dma_wait3A_318 : memref<128x64xf32, #tpu.memory_space<hbm>>)
        %mul3A_319 = arith.constant 128 : i32
        %mul3A_320 = arith.muli %add3A_165, %mul3A_319 : i32
        %dma_start3A_321 = tpu.memref_slice %arg5[%mul3A_320] : memref<13312xi32, #tpu.memory_space<vmem>> -> memref<128xi32, #tpu.memory_space<vmem>>
        %dma_start3A_322 = arith.constant 0 : i32
        %dma_start3A_323 = arith.constant 0 : i32
        %dma_start3A_324 = tpu.memref_slice %arg3[%dma_start3A_322, %dma_start3A_323] : memref<1000000x64xf32, #tpu.memory_space<hbm>> -> memref<1000000x64xf32, #tpu.memory_space<hbm>>
        tpu.enqueue_indirect_dma source(%dma_start3A_324 : memref<1000000x64xf32, #tpu.memory_space<hbm>>) target(%arg7 : memref<128x64xf32, #tpu.memory_space<vmem>>) offsets(%dma_start3A_321 : memref<128xi32, #tpu.memory_space<vmem>>) semaphore(%arg15 : memref<!tpu.dma_semaphore, #tpu.memory_space<semaphore_mem>>)
      } else {
      }
      %lt3A_174 = arith.constant 8 : i32
      %lt3A_175 = arith.cmpi slt, %add3A_165, %lt3A_174 : i32
      %convert_element_type3A_176 = arith.extui %lt3A_175 : i1 to i32
      %cond3A_177 = arith.constant 0 : i32
      %cond3A_178 = arith.cmpi ne, %convert_element_type3A_176, %cond3A_177 : i32
      scf.if %cond3A_178 {
        %mul3A_315 = arith.constant 128 : i32
        %mul3A_316 = arith.muli %add3A_165, %mul3A_315 : i32
        %dma_start3A_317 = tpu.memref_slice %arg5[%mul3A_316] : memref<13312xi32, #tpu.memory_space<vmem>> -> memref<128xi32, #tpu.memory_space<vmem>>
        %dma_start3A_318 = arith.constant 0 : i32
        %dma_start3A_319 = arith.constant 0 : i32
        %dma_start3A_320 = tpu.memref_slice %arg3[%dma_start3A_318, %dma_start3A_319] : memref<1000000x64xf32, #tpu.memory_space<hbm>> -> memref<1000000x64xf32, #tpu.memory_space<hbm>>
        tpu.enqueue_indirect_dma source(%dma_start3A_320 : memref<1000000x64xf32, #tpu.memory_space<hbm>>) target(%arg7 : memref<128x64xf32, #tpu.memory_space<vmem>>) offsets(%dma_start3A_317 : memref<128xi32, #tpu.memory_space<vmem>>) semaphore(%arg15 : memref<!tpu.dma_semaphore, #tpu.memory_space<semaphore_mem>>)
      } else {
      }
      %dma_wait3A_179 = arith.constant 0 : i32
      %dma_wait3A_180 = tpu.memref_slice %arg5[%dma_wait3A_179] : memref<13312xi32, #tpu.memory_space<vmem>> -> memref<128xi32, #tpu.memory_space<vmem>>
      %dma_wait3A_181 = arith.constant 0 : i32
      %dma_wait3A_182 = arith.constant 0 : i32
      %dma_wait3A_183 = tpu.memref_slice %arg3[%dma_wait3A_181, %dma_wait3A_182] : memref<1000000x64xf32, #tpu.memory_space<hbm>> -> memref<1000000x64xf32, #tpu.memory_space<hbm>>
      tpu.wait_indirect_dma semaphore(%arg17 : memref<!tpu.dma_semaphore, #tpu.memory_space<semaphore_mem>>) src(%dma_wait3A_183 : memref<1000000x64xf32, #tpu.memory_space<hbm>>) dst(%arg9 : memref<128x64xf32, #tpu.memory_space<vmem>>)
      %mul3A_184 = arith.constant 128 : i32
      %mul3A_185 = arith.muli %add3A_163, %mul3A_184 : i32
      %add3A_186 = arith.addi %mul3A_2, %mul3A_185 : i32
      %dma_start3A_187 = arith.constant 0 : i32
      %dma_start3A_188 = tpu.memref_slice %arg4[%add3A_186, %dma_start3A_187] : memref<425984x64xf32, #tpu.memory_space<hbm>> -> memref<128x64xf32, #tpu.memory_space<hbm>>
      %dma_start3A_189 = arith.constant 0 : i32
      %dma_start3A_190 = tpu.memref_slice %arg4[%add3A_186, %dma_start3A_189] : memref<425984x64xf32, #tpu.memory_space<hbm>> -> memref<128x64xf32, #tpu.memory_space<hbm>>
      tpu.enqueue_dma source(%arg9 : memref<128x64xf32, #tpu.memory_space<vmem>>) target(%dma_start3A_190 : memref<128x64xf32, #tpu.memory_space<hbm>>) target_semaphore(%arg25 : memref<!tpu.dma_semaphore, #tpu.memory_space<semaphore_mem>>)
      %mul3A_191 = arith.constant 8 : i32
      %mul3A_192 = arith.muli %add3A_71, %mul3A_191 : i32
      %add3A_193 = arith.constant 4 : i32
      %add3A_194 = arith.addi %mul3A_192, %add3A_193 : i32
      %add3A_195 = arith.constant 6 : i32
      %add3A_196 = arith.addi %add3A_194, %add3A_195 : i32
      %ge3A_197 = arith.constant 8 : i32
      %ge3A_198 = arith.cmpi sge, %add3A_196, %ge3A_197 : i32
      %lt3A_199 = arith.constant 104 : i32
      %lt3A_200 = arith.cmpi slt, %add3A_196, %lt3A_199 : i32
      %and3A_201 = arith.andi %ge3A_198, %lt3A_200 : i1
      %convert_element_type3A_202 = arith.extui %and3A_201 : i1 to i32
      %cond3A_203 = arith.constant 0 : i32
      %cond3A_204 = arith.cmpi ne, %convert_element_type3A_202, %cond3A_203 : i32
      scf.if %cond3A_204 {
        %dma_wait3A_315 = arith.constant 0 : i32
        %dma_wait3A_316 = tpu.memref_slice %arg4[%mul3A_2, %dma_wait3A_315] : memref<425984x64xf32, #tpu.memory_space<hbm>> -> memref<128x64xf32, #tpu.memory_space<hbm>>
        %dma_wait3A_317 = arith.constant 0 : i32
        %dma_wait3A_318 = tpu.memref_slice %arg4[%mul3A_2, %dma_wait3A_317] : memref<425984x64xf32, #tpu.memory_space<hbm>> -> memref<128x64xf32, #tpu.memory_space<hbm>>
        tpu.wait_dma2 semaphore(%arg24 : memref<!tpu.dma_semaphore, #tpu.memory_space<semaphore_mem>>) src(%arg8 : memref<128x64xf32, #tpu.memory_space<vmem>>) dst(%dma_wait3A_318 : memref<128x64xf32, #tpu.memory_space<hbm>>)
        %mul3A_319 = arith.constant 128 : i32
        %mul3A_320 = arith.muli %add3A_196, %mul3A_319 : i32
        %dma_start3A_321 = tpu.memref_slice %arg5[%mul3A_320] : memref<13312xi32, #tpu.memory_space<vmem>> -> memref<128xi32, #tpu.memory_space<vmem>>
        %dma_start3A_322 = arith.constant 0 : i32
        %dma_start3A_323 = arith.constant 0 : i32
        %dma_start3A_324 = tpu.memref_slice %arg3[%dma_start3A_322, %dma_start3A_323] : memref<1000000x64xf32, #tpu.memory_space<hbm>> -> memref<1000000x64xf32, #tpu.memory_space<hbm>>
        tpu.enqueue_indirect_dma source(%dma_start3A_324 : memref<1000000x64xf32, #tpu.memory_space<hbm>>) target(%arg8 : memref<128x64xf32, #tpu.memory_space<vmem>>) offsets(%dma_start3A_321 : memref<128xi32, #tpu.memory_space<vmem>>) semaphore(%arg16 : memref<!tpu.dma_semaphore, #tpu.memory_space<semaphore_mem>>)
      } else {
      }
      %lt3A_205 = arith.constant 8 : i32
      %lt3A_206 = arith.cmpi slt, %add3A_196, %lt3A_205 : i32
      %convert_element_type3A_207 = arith.extui %lt3A_206 : i1 to i32
      %cond3A_208 = arith.constant 0 : i32
      %cond3A_209 = arith.cmpi ne, %convert_element_type3A_207, %cond3A_208 : i32
      scf.if %cond3A_209 {
        %mul3A_315 = arith.constant 128 : i32
        %mul3A_316 = arith.muli %add3A_196, %mul3A_315 : i32
        %dma_start3A_317 = tpu.memref_slice %arg5[%mul3A_316] : memref<13312xi32, #tpu.memory_space<vmem>> -> memref<128xi32, #tpu.memory_space<vmem>>
        %dma_start3A_318 = arith.constant 0 : i32
        %dma_start3A_319 = arith.constant 0 : i32
        %dma_start3A_320 = tpu.memref_slice %arg3[%dma_start3A_318, %dma_start3A_319] : memref<1000000x64xf32, #tpu.memory_space<hbm>> -> memref<1000000x64xf32, #tpu.memory_space<hbm>>
        tpu.enqueue_indirect_dma source(%dma_start3A_320 : memref<1000000x64xf32, #tpu.memory_space<hbm>>) target(%arg8 : memref<128x64xf32, #tpu.memory_space<vmem>>) offsets(%dma_start3A_317 : memref<128xi32, #tpu.memory_space<vmem>>) semaphore(%arg16 : memref<!tpu.dma_semaphore, #tpu.memory_space<semaphore_mem>>)
      } else {
      }
      %dma_wait3A_210 = arith.constant 0 : i32
      %dma_wait3A_211 = tpu.memref_slice %arg5[%dma_wait3A_210] : memref<13312xi32, #tpu.memory_space<vmem>> -> memref<128xi32, #tpu.memory_space<vmem>>
      %dma_wait3A_212 = arith.constant 0 : i32
      %dma_wait3A_213 = arith.constant 0 : i32
      %dma_wait3A_214 = tpu.memref_slice %arg3[%dma_wait3A_212, %dma_wait3A_213] : memref<1000000x64xf32, #tpu.memory_space<hbm>> -> memref<1000000x64xf32, #tpu.memory_space<hbm>>
      tpu.wait_indirect_dma semaphore(%arg18 : memref<!tpu.dma_semaphore, #tpu.memory_space<semaphore_mem>>) src(%dma_wait3A_214 : memref<1000000x64xf32, #tpu.memory_space<hbm>>) dst(%arg10 : memref<128x64xf32, #tpu.memory_space<vmem>>)
      %mul3A_215 = arith.constant 128 : i32
      %mul3A_216 = arith.muli %add3A_194, %mul3A_215 : i32
      %add3A_217 = arith.addi %mul3A_2, %mul3A_216 : i32
      %dma_start3A_218 = arith.constant 0 : i32
      %dma_start3A_219 = tpu.memref_slice %arg4[%add3A_217, %dma_start3A_218] : memref<425984x64xf32, #tpu.memory_space<hbm>> -> memref<128x64xf32, #tpu.memory_space<hbm>>
      %dma_start3A_220 = arith.constant 0 : i32
      %dma_start3A_221 = tpu.memref_slice %arg4[%add3A_217, %dma_start3A_220] : memref<425984x64xf32, #tpu.memory_space<hbm>> -> memref<128x64xf32, #tpu.memory_space<hbm>>
      tpu.enqueue_dma source(%arg10 : memref<128x64xf32, #tpu.memory_space<vmem>>) target(%dma_start3A_221 : memref<128x64xf32, #tpu.memory_space<hbm>>) target_semaphore(%arg26 : memref<!tpu.dma_semaphore, #tpu.memory_space<semaphore_mem>>)
      %mul3A_222 = arith.constant 8 : i32
      %mul3A_223 = arith.muli %add3A_71, %mul3A_222 : i32
      %add3A_224 = arith.constant 5 : i32
      %add3A_225 = arith.addi %mul3A_223, %add3A_224 : i32
      %add3A_226 = arith.constant 6 : i32
      %add3A_227 = arith.addi %add3A_225, %add3A_226 : i32
      %ge3A_228 = arith.constant 8 : i32
      %ge3A_229 = arith.cmpi sge, %add3A_227, %ge3A_228 : i32
      %lt3A_230 = arith.constant 104 : i32
      %lt3A_231 = arith.cmpi slt, %add3A_227, %lt3A_230 : i32
      %and3A_232 = arith.andi %ge3A_229, %lt3A_231 : i1
      %convert_element_type3A_233 = arith.extui %and3A_232 : i1 to i32
      %cond3A_234 = arith.constant 0 : i32
      %cond3A_235 = arith.cmpi ne, %convert_element_type3A_233, %cond3A_234 : i32
      scf.if %cond3A_235 {
        %dma_wait3A_315 = arith.constant 0 : i32
        %dma_wait3A_316 = tpu.memref_slice %arg4[%mul3A_2, %dma_wait3A_315] : memref<425984x64xf32, #tpu.memory_space<hbm>> -> memref<128x64xf32, #tpu.memory_space<hbm>>
        %dma_wait3A_317 = arith.constant 0 : i32
        %dma_wait3A_318 = tpu.memref_slice %arg4[%mul3A_2, %dma_wait3A_317] : memref<425984x64xf32, #tpu.memory_space<hbm>> -> memref<128x64xf32, #tpu.memory_space<hbm>>
        tpu.wait_dma2 semaphore(%arg25 : memref<!tpu.dma_semaphore, #tpu.memory_space<semaphore_mem>>) src(%arg9 : memref<128x64xf32, #tpu.memory_space<vmem>>) dst(%dma_wait3A_318 : memref<128x64xf32, #tpu.memory_space<hbm>>)
        %mul3A_319 = arith.constant 128 : i32
        %mul3A_320 = arith.muli %add3A_227, %mul3A_319 : i32
        %dma_start3A_321 = tpu.memref_slice %arg5[%mul3A_320] : memref<13312xi32, #tpu.memory_space<vmem>> -> memref<128xi32, #tpu.memory_space<vmem>>
        %dma_start3A_322 = arith.constant 0 : i32
        %dma_start3A_323 = arith.constant 0 : i32
        %dma_start3A_324 = tpu.memref_slice %arg3[%dma_start3A_322, %dma_start3A_323] : memref<1000000x64xf32, #tpu.memory_space<hbm>> -> memref<1000000x64xf32, #tpu.memory_space<hbm>>
        tpu.enqueue_indirect_dma source(%dma_start3A_324 : memref<1000000x64xf32, #tpu.memory_space<hbm>>) target(%arg9 : memref<128x64xf32, #tpu.memory_space<vmem>>) offsets(%dma_start3A_321 : memref<128xi32, #tpu.memory_space<vmem>>) semaphore(%arg17 : memref<!tpu.dma_semaphore, #tpu.memory_space<semaphore_mem>>)
      } else {
      }
      %lt3A_236 = arith.constant 8 : i32
      %lt3A_237 = arith.cmpi slt, %add3A_227, %lt3A_236 : i32
      %convert_element_type3A_238 = arith.extui %lt3A_237 : i1 to i32
      %cond3A_239 = arith.constant 0 : i32
      %cond3A_240 = arith.cmpi ne, %convert_element_type3A_238, %cond3A_239 : i32
      scf.if %cond3A_240 {
        %mul3A_315 = arith.constant 128 : i32
        %mul3A_316 = arith.muli %add3A_227, %mul3A_315 : i32
        %dma_start3A_317 = tpu.memref_slice %arg5[%mul3A_316] : memref<13312xi32, #tpu.memory_space<vmem>> -> memref<128xi32, #tpu.memory_space<vmem>>
        %dma_start3A_318 = arith.constant 0 : i32
        %dma_start3A_319 = arith.constant 0 : i32
        %dma_start3A_320 = tpu.memref_slice %arg3[%dma_start3A_318, %dma_start3A_319] : memref<1000000x64xf32, #tpu.memory_space<hbm>> -> memref<1000000x64xf32, #tpu.memory_space<hbm>>
        tpu.enqueue_indirect_dma source(%dma_start3A_320 : memref<1000000x64xf32, #tpu.memory_space<hbm>>) target(%arg9 : memref<128x64xf32, #tpu.memory_space<vmem>>) offsets(%dma_start3A_317 : memref<128xi32, #tpu.memory_space<vmem>>) semaphore(%arg17 : memref<!tpu.dma_semaphore, #tpu.memory_space<semaphore_mem>>)
      } else {
      }
      %dma_wait3A_241 = arith.constant 0 : i32
      %dma_wait3A_242 = tpu.memref_slice %arg5[%dma_wait3A_241] : memref<13312xi32, #tpu.memory_space<vmem>> -> memref<128xi32, #tpu.memory_space<vmem>>
      %dma_wait3A_243 = arith.constant 0 : i32
      %dma_wait3A_244 = arith.constant 0 : i32
      %dma_wait3A_245 = tpu.memref_slice %arg3[%dma_wait3A_243, %dma_wait3A_244] : memref<1000000x64xf32, #tpu.memory_space<hbm>> -> memref<1000000x64xf32, #tpu.memory_space<hbm>>
      tpu.wait_indirect_dma semaphore(%arg19 : memref<!tpu.dma_semaphore, #tpu.memory_space<semaphore_mem>>) src(%dma_wait3A_245 : memref<1000000x64xf32, #tpu.memory_space<hbm>>) dst(%arg11 : memref<128x64xf32, #tpu.memory_space<vmem>>)
      %mul3A_246 = arith.constant 128 : i32
      %mul3A_247 = arith.muli %add3A_225, %mul3A_246 : i32
      %add3A_248 = arith.addi %mul3A_2, %mul3A_247 : i32
      %dma_start3A_249 = arith.constant 0 : i32
      %dma_start3A_250 = tpu.memref_slice %arg4[%add3A_248, %dma_start3A_249] : memref<425984x64xf32, #tpu.memory_space<hbm>> -> memref<128x64xf32, #tpu.memory_space<hbm>>
      %dma_start3A_251 = arith.constant 0 : i32
      %dma_start3A_252 = tpu.memref_slice %arg4[%add3A_248, %dma_start3A_251] : memref<425984x64xf32, #tpu.memory_space<hbm>> -> memref<128x64xf32, #tpu.memory_space<hbm>>
      tpu.enqueue_dma source(%arg11 : memref<128x64xf32, #tpu.memory_space<vmem>>) target(%dma_start3A_252 : memref<128x64xf32, #tpu.memory_space<hbm>>) target_semaphore(%arg27 : memref<!tpu.dma_semaphore, #tpu.memory_space<semaphore_mem>>)
      %mul3A_253 = arith.constant 8 : i32
      %mul3A_254 = arith.muli %add3A_71, %mul3A_253 : i32
      %add3A_255 = arith.constant 6 : i32
      %add3A_256 = arith.addi %mul3A_254, %add3A_255 : i32
      %add3A_257 = arith.constant 6 : i32
      %add3A_258 = arith.addi %add3A_256, %add3A_257 : i32
      %ge3A_259 = arith.constant 8 : i32
      %ge3A_260 = arith.cmpi sge, %add3A_258, %ge3A_259 : i32
      %lt3A_261 = arith.constant 104 : i32
      %lt3A_262 = arith.cmpi slt, %add3A_258, %lt3A_261 : i32
      %and3A_263 = arith.andi %ge3A_260, %lt3A_262 : i1
      %convert_element_type3A_264 = arith.extui %and3A_263 : i1 to i32
      %cond3A_265 = arith.constant 0 : i32
      %cond3A_266 = arith.cmpi ne, %convert_element_type3A_264, %cond3A_265 : i32
      scf.if %cond3A_266 {
        %dma_wait3A_315 = arith.constant 0 : i32
        %dma_wait3A_316 = tpu.memref_slice %arg4[%mul3A_2, %dma_wait3A_315] : memref<425984x64xf32, #tpu.memory_space<hbm>> -> memref<128x64xf32, #tpu.memory_space<hbm>>
        %dma_wait3A_317 = arith.constant 0 : i32
        %dma_wait3A_318 = tpu.memref_slice %arg4[%mul3A_2, %dma_wait3A_317] : memref<425984x64xf32, #tpu.memory_space<hbm>> -> memref<128x64xf32, #tpu.memory_space<hbm>>
        tpu.wait_dma2 semaphore(%arg26 : memref<!tpu.dma_semaphore, #tpu.memory_space<semaphore_mem>>) src(%arg10 : memref<128x64xf32, #tpu.memory_space<vmem>>) dst(%dma_wait3A_318 : memref<128x64xf32, #tpu.memory_space<hbm>>)
        %mul3A_319 = arith.constant 128 : i32
        %mul3A_320 = arith.muli %add3A_258, %mul3A_319 : i32
        %dma_start3A_321 = tpu.memref_slice %arg5[%mul3A_320] : memref<13312xi32, #tpu.memory_space<vmem>> -> memref<128xi32, #tpu.memory_space<vmem>>
        %dma_start3A_322 = arith.constant 0 : i32
        %dma_start3A_323 = arith.constant 0 : i32
        %dma_start3A_324 = tpu.memref_slice %arg3[%dma_start3A_322, %dma_start3A_323] : memref<1000000x64xf32, #tpu.memory_space<hbm>> -> memref<1000000x64xf32, #tpu.memory_space<hbm>>
        tpu.enqueue_indirect_dma source(%dma_start3A_324 : memref<1000000x64xf32, #tpu.memory_space<hbm>>) target(%arg10 : memref<128x64xf32, #tpu.memory_space<vmem>>) offsets(%dma_start3A_321 : memref<128xi32, #tpu.memory_space<vmem>>) semaphore(%arg18 : memref<!tpu.dma_semaphore, #tpu.memory_space<semaphore_mem>>)
      } else {
      }
      %lt3A_267 = arith.constant 8 : i32
      %lt3A_268 = arith.cmpi slt, %add3A_258, %lt3A_267 : i32
      %convert_element_type3A_269 = arith.extui %lt3A_268 : i1 to i32
      %cond3A_270 = arith.constant 0 : i32
      %cond3A_271 = arith.cmpi ne, %convert_element_type3A_269, %cond3A_270 : i32
      scf.if %cond3A_271 {
        %mul3A_315 = arith.constant 128 : i32
        %mul3A_316 = arith.muli %add3A_258, %mul3A_315 : i32
        %dma_start3A_317 = tpu.memref_slice %arg5[%mul3A_316] : memref<13312xi32, #tpu.memory_space<vmem>> -> memref<128xi32, #tpu.memory_space<vmem>>
        %dma_start3A_318 = arith.constant 0 : i32
        %dma_start3A_319 = arith.constant 0 : i32
        %dma_start3A_320 = tpu.memref_slice %arg3[%dma_start3A_318, %dma_start3A_319] : memref<1000000x64xf32, #tpu.memory_space<hbm>> -> memref<1000000x64xf32, #tpu.memory_space<hbm>>
        tpu.enqueue_indirect_dma source(%dma_start3A_320 : memref<1000000x64xf32, #tpu.memory_space<hbm>>) target(%arg10 : memref<128x64xf32, #tpu.memory_space<vmem>>) offsets(%dma_start3A_317 : memref<128xi32, #tpu.memory_space<vmem>>) semaphore(%arg18 : memref<!tpu.dma_semaphore, #tpu.memory_space<semaphore_mem>>)
      } else {
      }
      %dma_wait3A_272 = arith.constant 0 : i32
      %dma_wait3A_273 = tpu.memref_slice %arg5[%dma_wait3A_272] : memref<13312xi32, #tpu.memory_space<vmem>> -> memref<128xi32, #tpu.memory_space<vmem>>
      %dma_wait3A_274 = arith.constant 0 : i32
      %dma_wait3A_275 = arith.constant 0 : i32
      %dma_wait3A_276 = tpu.memref_slice %arg3[%dma_wait3A_274, %dma_wait3A_275] : memref<1000000x64xf32, #tpu.memory_space<hbm>> -> memref<1000000x64xf32, #tpu.memory_space<hbm>>
      tpu.wait_indirect_dma semaphore(%arg20 : memref<!tpu.dma_semaphore, #tpu.memory_space<semaphore_mem>>) src(%dma_wait3A_276 : memref<1000000x64xf32, #tpu.memory_space<hbm>>) dst(%arg12 : memref<128x64xf32, #tpu.memory_space<vmem>>)
      %mul3A_277 = arith.constant 128 : i32
      %mul3A_278 = arith.muli %add3A_256, %mul3A_277 : i32
      %add3A_279 = arith.addi %mul3A_2, %mul3A_278 : i32
      %dma_start3A_280 = arith.constant 0 : i32
      %dma_start3A_281 = tpu.memref_slice %arg4[%add3A_279, %dma_start3A_280] : memref<425984x64xf32, #tpu.memory_space<hbm>> -> memref<128x64xf32, #tpu.memory_space<hbm>>
      %dma_start3A_282 = arith.constant 0 : i32
      %dma_start3A_283 = tpu.memref_slice %arg4[%add3A_279, %dma_start3A_282] : memref<425984x64xf32, #tpu.memory_space<hbm>> -> memref<128x64xf32, #tpu.memory_space<hbm>>
      tpu.enqueue_dma source(%arg12 : memref<128x64xf32, #tpu.memory_space<vmem>>) target(%dma_start3A_283 : memref<128x64xf32, #tpu.memory_space<hbm>>) target_semaphore(%arg28 : memref<!tpu.dma_semaphore, #tpu.memory_space<semaphore_mem>>)
      %mul3A_284 = arith.constant 8 : i32
      %mul3A_285 = arith.muli %add3A_71, %mul3A_284 : i32
      %add3A_286 = arith.constant 7 : i32
      %add3A_287 = arith.addi %mul3A_285, %add3A_286 : i32
      %add3A_288 = arith.constant 6 : i32
      %add3A_289 = arith.addi %add3A_287, %add3A_288 : i32
      %ge3A_290 = arith.constant 8 : i32
      %ge3A_291 = arith.cmpi sge, %add3A_289, %ge3A_290 : i32
      %lt3A_292 = arith.constant 104 : i32
      %lt3A_293 = arith.cmpi slt, %add3A_289, %lt3A_292 : i32
      %and3A_294 = arith.andi %ge3A_291, %lt3A_293 : i1
      %convert_element_type3A_295 = arith.extui %and3A_294 : i1 to i32
      %cond3A_296 = arith.constant 0 : i32
      %cond3A_297 = arith.cmpi ne, %convert_element_type3A_295, %cond3A_296 : i32
      scf.if %cond3A_297 {
        %dma_wait3A_315 = arith.constant 0 : i32
        %dma_wait3A_316 = tpu.memref_slice %arg4[%mul3A_2, %dma_wait3A_315] : memref<425984x64xf32, #tpu.memory_space<hbm>> -> memref<128x64xf32, #tpu.memory_space<hbm>>
        %dma_wait3A_317 = arith.constant 0 : i32
        %dma_wait3A_318 = tpu.memref_slice %arg4[%mul3A_2, %dma_wait3A_317] : memref<425984x64xf32, #tpu.memory_space<hbm>> -> memref<128x64xf32, #tpu.memory_space<hbm>>
        tpu.wait_dma2 semaphore(%arg27 : memref<!tpu.dma_semaphore, #tpu.memory_space<semaphore_mem>>) src(%arg11 : memref<128x64xf32, #tpu.memory_space<vmem>>) dst(%dma_wait3A_318 : memref<128x64xf32, #tpu.memory_space<hbm>>)
        %mul3A_319 = arith.constant 128 : i32
        %mul3A_320 = arith.muli %add3A_289, %mul3A_319 : i32
        %dma_start3A_321 = tpu.memref_slice %arg5[%mul3A_320] : memref<13312xi32, #tpu.memory_space<vmem>> -> memref<128xi32, #tpu.memory_space<vmem>>
        %dma_start3A_322 = arith.constant 0 : i32
        %dma_start3A_323 = arith.constant 0 : i32
        %dma_start3A_324 = tpu.memref_slice %arg3[%dma_start3A_322, %dma_start3A_323] : memref<1000000x64xf32, #tpu.memory_space<hbm>> -> memref<1000000x64xf32, #tpu.memory_space<hbm>>
        tpu.enqueue_indirect_dma source(%dma_start3A_324 : memref<1000000x64xf32, #tpu.memory_space<hbm>>) target(%arg11 : memref<128x64xf32, #tpu.memory_space<vmem>>) offsets(%dma_start3A_321 : memref<128xi32, #tpu.memory_space<vmem>>) semaphore(%arg19 : memref<!tpu.dma_semaphore, #tpu.memory_space<semaphore_mem>>)
      } else {
      }
      %lt3A_298 = arith.constant 8 : i32
      %lt3A_299 = arith.cmpi slt, %add3A_289, %lt3A_298 : i32
      %convert_element_type3A_300 = arith.extui %lt3A_299 : i1 to i32
      %cond3A_301 = arith.constant 0 : i32
      %cond3A_302 = arith.cmpi ne, %convert_element_type3A_300, %cond3A_301 : i32
      scf.if %cond3A_302 {
        %mul3A_315 = arith.constant 128 : i32
        %mul3A_316 = arith.muli %add3A_289, %mul3A_315 : i32
        %dma_start3A_317 = tpu.memref_slice %arg5[%mul3A_316] : memref<13312xi32, #tpu.memory_space<vmem>> -> memref<128xi32, #tpu.memory_space<vmem>>
        %dma_start3A_318 = arith.constant 0 : i32
        %dma_start3A_319 = arith.constant 0 : i32
        %dma_start3A_320 = tpu.memref_slice %arg3[%dma_start3A_318, %dma_start3A_319] : memref<1000000x64xf32, #tpu.memory_space<hbm>> -> memref<1000000x64xf32, #tpu.memory_space<hbm>>
        tpu.enqueue_indirect_dma source(%dma_start3A_320 : memref<1000000x64xf32, #tpu.memory_space<hbm>>) target(%arg11 : memref<128x64xf32, #tpu.memory_space<vmem>>) offsets(%dma_start3A_317 : memref<128xi32, #tpu.memory_space<vmem>>) semaphore(%arg19 : memref<!tpu.dma_semaphore, #tpu.memory_space<semaphore_mem>>)
      } else {
      }
      %dma_wait3A_303 = arith.constant 0 : i32
      %dma_wait3A_304 = tpu.memref_slice %arg5[%dma_wait3A_303] : memref<13312xi32, #tpu.memory_space<vmem>> -> memref<128xi32, #tpu.memory_space<vmem>>
      %dma_wait3A_305 = arith.constant 0 : i32
      %dma_wait3A_306 = arith.constant 0 : i32
      %dma_wait3A_307 = tpu.memref_slice %arg3[%dma_wait3A_305, %dma_wait3A_306] : memref<1000000x64xf32, #tpu.memory_space<hbm>> -> memref<1000000x64xf32, #tpu.memory_space<hbm>>
      tpu.wait_indirect_dma semaphore(%arg21 : memref<!tpu.dma_semaphore, #tpu.memory_space<semaphore_mem>>) src(%dma_wait3A_307 : memref<1000000x64xf32, #tpu.memory_space<hbm>>) dst(%arg13 : memref<128x64xf32, #tpu.memory_space<vmem>>)
      %mul3A_308 = arith.constant 128 : i32
      %mul3A_309 = arith.muli %add3A_287, %mul3A_308 : i32
      %add3A_310 = arith.addi %mul3A_2, %mul3A_309 : i32
      %dma_start3A_311 = arith.constant 0 : i32
      %dma_start3A_312 = tpu.memref_slice %arg4[%add3A_310, %dma_start3A_311] : memref<425984x64xf32, #tpu.memory_space<hbm>> -> memref<128x64xf32, #tpu.memory_space<hbm>>
      %dma_start3A_313 = arith.constant 0 : i32
      %dma_start3A_314 = tpu.memref_slice %arg4[%add3A_310, %dma_start3A_313] : memref<425984x64xf32, #tpu.memory_space<hbm>> -> memref<128x64xf32, #tpu.memory_space<hbm>>
      tpu.enqueue_dma source(%arg13 : memref<128x64xf32, #tpu.memory_space<vmem>>) target(%dma_start3A_314 : memref<128x64xf32, #tpu.memory_space<hbm>>) target_semaphore(%arg29 : memref<!tpu.dma_semaphore, #tpu.memory_space<semaphore_mem>>)
    }
    %scan3A_35 = arith.constant 13 : i32
    %dma_wait3A = arith.constant 0 : i32
    %dma_wait3A_36 = tpu.memref_slice %arg4[%mul3A_2, %dma_wait3A] : memref<425984x64xf32, #tpu.memory_space<hbm>> -> memref<128x64xf32, #tpu.memory_space<hbm>>
    %dma_wait3A_37 = arith.constant 0 : i32
    %dma_wait3A_38 = tpu.memref_slice %arg4[%mul3A_2, %dma_wait3A_37] : memref<425984x64xf32, #tpu.memory_space<hbm>> -> memref<128x64xf32, #tpu.memory_space<hbm>>
    tpu.wait_dma2 semaphore(%arg22 : memref<!tpu.dma_semaphore, #tpu.memory_space<semaphore_mem>>) src(%arg6 : memref<128x64xf32, #tpu.memory_space<vmem>>) dst(%dma_wait3A_38 : memref<128x64xf32, #tpu.memory_space<hbm>>)
    %dma_wait3A_39 = arith.constant 0 : i32
    %dma_wait3A_40 = tpu.memref_slice %arg4[%mul3A_2, %dma_wait3A_39] : memref<425984x64xf32, #tpu.memory_space<hbm>> -> memref<128x64xf32, #tpu.memory_space<hbm>>
    %dma_wait3A_41 = arith.constant 0 : i32
    %dma_wait3A_42 = tpu.memref_slice %arg4[%mul3A_2, %dma_wait3A_41] : memref<425984x64xf32, #tpu.memory_space<hbm>> -> memref<128x64xf32, #tpu.memory_space<hbm>>
    tpu.wait_dma2 semaphore(%arg23 : memref<!tpu.dma_semaphore, #tpu.memory_space<semaphore_mem>>) src(%arg7 : memref<128x64xf32, #tpu.memory_space<vmem>>) dst(%dma_wait3A_42 : memref<128x64xf32, #tpu.memory_space<hbm>>)
    %dma_wait3A_43 = arith.constant 0 : i32
    %dma_wait3A_44 = tpu.memref_slice %arg4[%mul3A_2, %dma_wait3A_43] : memref<425984x64xf32, #tpu.memory_space<hbm>> -> memref<128x64xf32, #tpu.memory_space<hbm>>
    %dma_wait3A_45 = arith.constant 0 : i32
    %dma_wait3A_46 = tpu.memref_slice %arg4[%mul3A_2, %dma_wait3A_45] : memref<425984x64xf32, #tpu.memory_space<hbm>> -> memref<128x64xf32, #tpu.memory_space<hbm>>
    tpu.wait_dma2 semaphore(%arg24 : memref<!tpu.dma_semaphore, #tpu.memory_space<semaphore_mem>>) src(%arg8 : memref<128x64xf32, #tpu.memory_space<vmem>>) dst(%dma_wait3A_46 : memref<128x64xf32, #tpu.memory_space<hbm>>)
    %dma_wait3A_47 = arith.constant 0 : i32
    %dma_wait3A_48 = tpu.memref_slice %arg4[%mul3A_2, %dma_wait3A_47] : memref<425984x64xf32, #tpu.memory_space<hbm>> -> memref<128x64xf32, #tpu.memory_space<hbm>>
    %dma_wait3A_49 = arith.constant 0 : i32
    %dma_wait3A_50 = tpu.memref_slice %arg4[%mul3A_2, %dma_wait3A_49] : memref<425984x64xf32, #tpu.memory_space<hbm>> -> memref<128x64xf32, #tpu.memory_space<hbm>>
    tpu.wait_dma2 semaphore(%arg25 : memref<!tpu.dma_semaphore, #tpu.memory_space<semaphore_mem>>) src(%arg9 : memref<128x64xf32, #tpu.memory_space<vmem>>) dst(%dma_wait3A_50 : memref<128x64xf32, #tpu.memory_space<hbm>>)
    %dma_wait3A_51 = arith.constant 0 : i32
    %dma_wait3A_52 = tpu.memref_slice %arg4[%mul3A_2, %dma_wait3A_51] : memref<425984x64xf32, #tpu.memory_space<hbm>> -> memref<128x64xf32, #tpu.memory_space<hbm>>
    %dma_wait3A_53 = arith.constant 0 : i32
    %dma_wait3A_54 = tpu.memref_slice %arg4[%mul3A_2, %dma_wait3A_53] : memref<425984x64xf32, #tpu.memory_space<hbm>> -> memref<128x64xf32, #tpu.memory_space<hbm>>
    tpu.wait_dma2 semaphore(%arg26 : memref<!tpu.dma_semaphore, #tpu.memory_space<semaphore_mem>>) src(%arg10 : memref<128x64xf32, #tpu.memory_space<vmem>>) dst(%dma_wait3A_54 : memref<128x64xf32, #tpu.memory_space<hbm>>)
    %dma_wait3A_55 = arith.constant 0 : i32
    %dma_wait3A_56 = tpu.memref_slice %arg4[%mul3A_2, %dma_wait3A_55] : memref<425984x64xf32, #tpu.memory_space<hbm>> -> memref<128x64xf32, #tpu.memory_space<hbm>>
    %dma_wait3A_57 = arith.constant 0 : i32
    %dma_wait3A_58 = tpu.memref_slice %arg4[%mul3A_2, %dma_wait3A_57] : memref<425984x64xf32, #tpu.memory_space<hbm>> -> memref<128x64xf32, #tpu.memory_space<hbm>>
    tpu.wait_dma2 semaphore(%arg27 : memref<!tpu.dma_semaphore, #tpu.memory_space<semaphore_mem>>) src(%arg11 : memref<128x64xf32, #tpu.memory_space<vmem>>) dst(%dma_wait3A_58 : memref<128x64xf32, #tpu.memory_space<hbm>>)
    %dma_wait3A_59 = arith.constant 0 : i32
    %dma_wait3A_60 = tpu.memref_slice %arg4[%mul3A_2, %dma_wait3A_59] : memref<425984x64xf32, #tpu.memory_space<hbm>> -> memref<128x64xf32, #tpu.memory_space<hbm>>
    %dma_wait3A_61 = arith.constant 0 : i32
    %dma_wait3A_62 = tpu.memref_slice %arg4[%mul3A_2, %dma_wait3A_61] : memref<425984x64xf32, #tpu.memory_space<hbm>> -> memref<128x64xf32, #tpu.memory_space<hbm>>
    tpu.wait_dma2 semaphore(%arg28 : memref<!tpu.dma_semaphore, #tpu.memory_space<semaphore_mem>>) src(%arg12 : memref<128x64xf32, #tpu.memory_space<vmem>>) dst(%dma_wait3A_62 : memref<128x64xf32, #tpu.memory_space<hbm>>)
    %dma_wait3A_63 = arith.constant 0 : i32
    %dma_wait3A_64 = tpu.memref_slice %arg4[%mul3A_2, %dma_wait3A_63] : memref<425984x64xf32, #tpu.memory_space<hbm>> -> memref<128x64xf32, #tpu.memory_space<hbm>>
    %dma_wait3A_65 = arith.constant 0 : i32
    %dma_wait3A_66 = tpu.memref_slice %arg4[%mul3A_2, %dma_wait3A_65] : memref<425984x64xf32, #tpu.memory_space<hbm>> -> memref<128x64xf32, #tpu.memory_space<hbm>>
    tpu.wait_dma2 semaphore(%arg29 : memref<!tpu.dma_semaphore, #tpu.memory_space<semaphore_mem>>) src(%arg13 : memref<128x64xf32, #tpu.memory_space<vmem>>) dst(%dma_wait3A_66 : memref<128x64xf32, #tpu.memory_space<hbm>>)
    return
  }
}

</mosaic_0001>

<sc_bundles>
// kernel: _sc_gather.3.cloned.1.call-start
scs
__scs_entry_jumppad:
0x0: {  	(pc) =	sbr.rel $0x88, $3  }
0x1: {  	(tag) =	ssettag $0x0;
	lr =	simm.s32 $0x1  }
0x2: {  	[smem:$0x3F9F] =	sst lr;
	_ =	strace $0xD0000000  }
0x3: {  	_ = 	snop  }
0x4: {  	_ = 	snop  }
0x5: {  	_ = 	snop  }
0x6: {  	_ = 	snop  }
0x7: {  	_ = 	snop  }
__scs_overlays_trampoline_lowered:
0x8: {  	[smem:$0x3FAE] =	sst s0  }
0x9: {  	[smem:$0x3FAF] =	sst s1  }
0xa: {  	[smem:$0x3FB0] =	sst s2  }
0xb: {  	[smem:$0x3FB1] =	sst s3  }
0xc: {  	[smem:$0x3FB2] =	sst s4  }
0xd: {  	[smem:$0x3FB3] =	sst s5  }
0xe: {  	[smem:$0x3FB4] =	sst s6  }
0xf: {  	[smem:$0x3FB5] =	sst s7  }
0x10: {  	[smem:$0x3FB6] =	sst s8  }
0x11: {  	[smem:$0x3FB7] =	sst s9;
	s0 =	simm.s32 @!p0 $0x0  }
0x12: {  	s1 =	sld [smem:$0x3F9D];
	s0 =	simm.s32 @p0 $0x1  }
0x13: {  	[smem:$0x3FB8] =	sst s0;
	s0 =	simm.s32 @!p1 $0x0  }
0x14: {  	s2 =	sld [smem:$0x3F9C];
	s0 =	simm.s32 @p1 $0x1  }
0x15: {  	[smem:$0x3FB9] =	sst s0;
	s0 =	simm.s32 @!p2 $0x0  }
0x16: {  	s3 =	sld [smem:$0x3FDB];
	s0 =	simm.s32 @p2 $0x1  }
0x17: {  	s4 =	simm.s32 $0x1BF5;
	[smem:$0x3FBB] =	sst s0  }
0x18: {  	s0 =	sld [smem:$0x3F9E];
	_ =	swait.ge [sflag:s4], $0x0  }
0x19: {  	s7 =	sld [smem:$0x3F9F]  }
0x1a: {  	s8 =	sadd.s32 $0xFFFFE003, lr  }
0x1b: {  	s9 =	sadd.s32 $0xFFFFFEF7, lr;
	s5 =	simm.s32 $0xFFFFFFFF;
	p2 =	slt.u32 s8, $0xFFFFF086  }
0x1c: {  	p1 =	slt.u32 s9, $0xF7A;
	s5 =	simm.s32 @!p2 $0x0  }
0x1d: {  	s5 =	simm.s32 @p1 $0x1;
	p0 =	seq.s32 s7, s2  }
0x1e: {  	s7 =	smul.u32 @!p0 $0xF7A, s2;
	p2 =	seq.s32 @!p0 s5, $0x0  }
0x1f: {  	s9 =	smul.u32 $0xF7A, s1;
	s8 =	simm.s32 @!p0 $0x1BF5;
	p2 =	por !p2, p0  }
0x20: {  	[sflag:s8] =	ssyncset.s32 @!p0 $0xFFFFF086;
	s6 =	sadd.s32 @!p0 s3, s7;
	s7 =	simm.s32 @!p0 $0x108  }
0x21: {  	s3 =	sadd.s32 s3, s9;
	s6 =	sadd.s32 @!p0 $0x88, s6;
	s7 =	simm.s32 @p2 $0x1082  }
0x22: {  	[simem:s7], [sflag:s8] =	dma.local @!p0 [hbm:s6], $0xF7A  }
0x23: {  	s9 =	sor.u32 $0xD0000000, s2;
	s6 =	simm.s32 $0x108;
	_ =	swait.ge @!p0 [sflag:s8], $0x0  }
0x24: {  	s3 =	sadd.s32 $0x88, s3;
	s6 =	simm.s32 @!p1 $0x1082;
	[sflag:s4] =	ssyncset.s32 $0xFFFFF086  }
0x25: {  	[simem:s6], [sflag:s4] =	dma.local [hbm:s3], $0xF7A  }
0x26: {  	[smem:$0x3F9F] =	sst s1;
	(tag) =	ssettag s2;
	_ =	strace s9  }
0x27: {  	s1 =	sld [smem:$0x3FAF]  }
0x28: {  	s2 =	sld [smem:$0x3FB0]  }
0x29: {  	s4 =	sld [smem:$0x3FB2]  }
0x2a: {  	p0 =	seq.s32 s5, $0x0;
	s5 =	sld [smem:$0x3FB3]  }
0x2b: {  	s6 =	sld [smem:$0x3FB4]  }
0x2c: {  	s7 =	sld [smem:$0x3FB5]  }
0x2d: {  	s3 =	simm.s32 $0x108;
	s8 =	sld [smem:$0x3FB6]  }
0x2e: {  	s3 =	simm.s32 @!p0 $0x1082;
	s9 =	sld [smem:$0x3FB7]  }
0x2f: {  	lr =	sadd.s32 s0, s3;
	s0 =	sld [smem:$0x3FAE]  }
0x30: {  	s3 =	sld [smem:$0x3FB1]  }
0x31: {  	[smem:$0x3FBA] =	sst s10  }
0x32: {  	s10 =	sld [smem:$0x3FB8];
	_ =	sdelay $0x3  }
0x33: {  	p0 =	seq.s32 s10, $0x1;
	s10 =	sld [smem:$0x3FBA];
	_ =	sdelay $0x3  }
0x34: {  	[smem:$0x3FBA] =	sst s10  }
0x35: {  	s10 =	sld [smem:$0x3FB9];
	_ =	sdelay $0x3  }
0x36: {  	p1 =	seq.s32 s10, $0x1;
	s10 =	sld [smem:$0x3FBA];
	_ =	sdelay $0x3  }
0x37: {  	[smem:$0x3FBA] =	sst s10  }
0x38: {  	s10 =	sld [smem:$0x3FBB]  }
0x39: {  	_ = 	snop;
	(pc) =	sbr.ind lr, $3  }
0x3a: {  	_ = 	snop  }
0x3b: {  	_ = 	snop  }
0x3c: {  	p2 =	seq.s32 s10, $0x1;
	s10 =	sld [smem:$0x3FBA]  }
0x3d: {  	_ =	shalt  }
0x3e: {  	_ =	shalt  }
0x3f: {  	_ =	shalt  }
0x40: {  	_ =	shalt  }
0x41: {  	_ =	shalt  }
0x42: {  	_ =	shalt  }
0x43: {  	_ =	shalt  }
0x44: {  	_ =	shalt  }
0x45: {  	_ =	shalt  }
0x46: {  	_ =	shalt  }
0x47: {  	_ =	shalt  }
0x48: {  	_ =	shalt  }
0x49: {  	_ =	shalt  }
0x4a: {  	_ =	shalt  }
0x4b: {  	_ =	shalt  }
0x4c: {  	_ =	shalt  }
0x4d: {  	_ =	shalt  }
0x4e: {  	_ =	shalt  }
0x4f: {  	_ =	shalt  }
0x50: {  	_ =	shalt  }
0x51: {  	_ =	shalt  }
0x52: {  	_ =	shalt  }
0x53: {  	_ =	shalt  }
0x54: {  	_ =	shalt  }
0x55: {  	_ =	shalt  }
0x56: {  	_ =	shalt  }
0x57: {  	_ =	shalt  }
0x58: {  	_ =	shalt  }
0x59: {  	_ =	shalt  }
0x5a: {  	_ =	shalt  }
0x5b: {  	_ =	shalt  }
0x5c: {  	_ =	shalt  }
0x5d: {  	_ =	shalt  }
0x5e: {  	_ =	shalt  }
0x5f: {  	_ =	shalt  }
0x60: {  	_ =	shalt  }
0x61: {  	_ =	shalt  }
0x62: {  	_ =	shalt  }
0x63: {  	_ =	shalt  }
0x64: {  	_ =	shalt  }
0x65: {  	_ =	shalt  }
0x66: {  	_ =	shalt  }
0x67: {  	_ =	shalt  }
0x68: {  	_ =	shalt  }
0x69: {  	_ =	shalt  }
0x6a: {  	_ =	shalt  }
0x6b: {  	_ =	shalt  }
0x6c: {  	_ =	shalt  }
0x6d: {  	_ =	shalt  }
0x6e: {  	_ =	shalt  }
0x6f: {  	_ =	shalt  }
0x70: {  	_ =	shalt  }
0x71: {  	_ =	shalt  }
0x72: {  	_ =	shalt  }
0x73: {  	_ =	shalt  }
0x74: {  	_ =	shalt  }
0x75: {  	_ =	shalt  }
0x76: {  	_ =	shalt  }
0x77: {  	_ =	shalt  }
0x78: {  	_ =	shalt  }
0x79: {  	_ =	shalt  }
0x7a: {  	_ =	shalt  }
0x7b: {  	_ =	shalt  }
0x7c: {  	_ =	shalt  }
0x7d: {  	_ =	shalt  }
0x7e: {  	_ =	shalt  }
0x7f: {  	_ =	shalt  }
0x80: {  	_ =	shalt  }
0x81: {  	_ =	shalt  }
0x82: {  	_ =	shalt  }
0x83: {  	_ =	shalt  }
0x84: {  	_ =	shalt  }
0x85: {  	_ =	shalt  }
0x86: {  	_ =	shalt  }
0x87: {  	_ =	shalt  }
.Lfunc_end0:
.L_simem_size_0:
called_computation.1_lowered:
.L_overlay_start_0:
0x88: {  	s2 =	sld [smem:$0x3FD9]  }
0x89: {  	s3 =	sld [smem:$0x3FFE];
	_ =	sdelay $0x1  }
0x8a: {  	s1 =	srdreg.scid  }
0x8b: {  	s0 =	sand.u32 $0x1, s1  }
0x8c: {  	s17 =	sshll.u32 s0, $0xA;
	s2 =	sadd.s32 s3, s2  }
0x8d: {  	s2 =	sadd.s32 s2, s17  }
0x8e: {  	[smem:$0x3FC6] =	sst s2  }
0x8f: {  	_ = 	snop  }
0x90: {  	s2 =	sld [smem:$0x3FC9]  }
0x91: {  	s18 =	sld [smem:$0x3FD0];
	(tm) =	ssettm $0x1  }
0x92: {  	s4 =	sld [smem:$0x3FFB];
	_ =	sdelay $0x3  }
0x93: {  	_ =	strace s4  }
0x94: {  	s4 =	sld [smem:$0x3FFC];
	_ =	sdelay $0x3  }
0x95: {  	_ =	strace s4  }
0x96: {  	s4 =	sld [smem:$0x3FFD];
	_ =	sdelay $0x3  }
0x97: {  	_ =	strace s4  }
0x98: {  	_ =	strace $0x8FFFFFFF  }
0x99: {  	s19 =	sld [smem:$0x3FDB];
	_ =	sdelay $0x1  }
0x9a: {  	s5 =	simm.s32 $_scs_section_size  }
0x9b: {  	s6 =	simm.s32 $_size__tile_overlayer_lowered;
	s7 =	simm.s32 $_tile_overlayer_lowered  }
0x9c: {  	s22 =	simm.s32 $0x1BFF;
	s21 =	sshll.u32 s7, $0x1;
	s4 =	sadd.s32 s5, s19  }
0x9d: {  	s8 =	simm.s32 $0x0;
	s20 =	sshll.u32 s6, $0x1;
	s6 =	sadd.s32 s21, s4  }
0x9e: {  	[timem:s8], [sflag:s22] =	dma.local [hbm:s6], s20  }
0x9f: {  	_ =	swait.ge [sflag:s22], s20  }
0xa0: {  	s5 =	ssub.s32 $0x0, s20;
	[sflag:s22] =	ssyncset.done $0x0  }
0xa1: {  	[sflag:s22] =	ssyncadd.s32 s5;
	_ =	sdelay $0x1  }
0xa2: {  	s23 =	simm.s32 $0x1B8B  }
0xa3: {  	_ =	swait.ge [sflag:s23], $0x1  }
0xa4: {  	[sflag:s23] =	ssyncset.done $0x0  }
0xa5: {  	s25 =	simm.s32 $0x1B8E;
	s24 =	sld [smem:$0x3FFE];
	[sflag:s23] =	ssyncadd.s32 $0xFFFFFFFF  }
0xa6: {  	s26 =	simm.s32 $execute0_lowered;
	[smem:$0x3FD2] =	sst s25  }
0xa7: {  	s6 =	sshll.u32 s26, $0x1;
	_ =	strace $0x80000046;
	[dreg:$0x1] =	wrdreg $0xFFFFFFFF  }
0xa8: {  	s28 =	simm.s32 $_size_execute0_lowered;
	s4 =	sadd.s32 s4, s6;
	[dreg:$0x0] =	wrdreg $0x0  }
0xa9: {  	s6 =	sshll.u32 s28, $0x1;
	[dreg:$0x2] =	wrdreg s4  }
0xaa: {  	[dreg:$0x3] =	wrdreg s6  }
0xab: {  	[dreg:$0x4] =	wrdreg $0xC0  }
0xac: {  	_ =	task [dreg:s8], $0x5FFFF  }
0xad: {  	[dreg:$0x1] =	wrdreg $0xFFFFFFFF  }
0xae: {  	[dreg:$0x0] =	wrdreg $0x60  }
0xaf: {  	[dreg:$0x2] =	wrdreg s2  }
0xb0: {  	[dreg:$0x3] =	wrdreg s24  }
0xb1: {  	[dreg:$0x4] =	wrdreg s18  }
0xb2: {  	[dreg:$0x5] =	wrdreg $0x9  }
0xb3: {  	_ =	task.clear_ibuf [dreg:s8], $0x6FFFF;
	_ =	strace $0x90000046  }
0xb4: {  	s29 =	simm.s32 $0x9;
	_ =	strace $0x80000048  }
0xb5: {  	_ =	swait.ge [sflag:s29], $0x1  }
0xb6: {  	[sflag:s29] =	ssyncadd.s32 $0xFFFFFFFF  }
0xb7: {  	_ =	strace $0x90000048  }
0xb8: {  	_ =	sfence  }
0xb9: {  	s30 =	sld [smem:$0x0];
	_ =	sdelay $0x2  }
0xba: {  	s31 =	sshll.u32 s1, $0xD;
	s1 =	sshrl.u32 s1, $0x2  }
0xbb: {  	s3 =	sand.u32 $0x4000, s31;
	s1 =	sadd.s32 s1, s30  }
0xbc: {  	s0 =	sor.u32 s3, s0;
	s1 =	sshll.u32 s1, $0x11  }
0xbd: {  	s0 =	sor.u32 s1, s0  }
0xbe: {  	s0 =	sadd.s32 $0x8F2B, s0  }
0xbf: {  	[sflag:s0] =	ssyncadd.remote.s32 $0x1  }
0xc0: {  	_ =	sfence.sel $0xFFFF  }
0xc1: {  	[dreg:$0x0] =	wrdreg $0xFFFFFFFF;
	(pc) =	sbr.abs _section_cstart, $3  }
0xc2: {  	[dreg:$0x1] =	wrdreg $0xFFFFFFFF  }
0xc3: {  	_ =	task.clear_ibuf [dreg:s8], $0x2FFFF;
	_ =	strace $0x9FFFFFFF  }
0xc4: {  	(tm) =	ssettm $0x7FFFFFFF  }
0xc5: {  	_ =	shalt  }
tec
execute0_lowered:
.L_overlay_start_1:
0x0: {  	(tag) =	ssettag $0x1  }
0x1: {  	s0 =	rddreg [dreg:$0x0]  }
0x2: {  	s1 =	srdreg.scid;
	s10 =	stileid.u32  }
0x3: {  	s2 =	rddreg [dreg:$0x1];
	s3 =	simm.s32 $0x0;
	s31 =	simm.s32 $0xF400  }
0x4: {  	s28 =	simm.s32 $0x8;
	s12 =	simm.s32 $0x80;
	s5 =	smul.u32 $0x1A0000, s10  }
0x5: {  	s14 =	simm.s32 $0x7400;
	s1 =	sand.u32 $0x1, s1;
	s7 =	smul.u32 $0x6800, s10  }
0x6: {  	[smem:$0x7FF] =	sst s3;
	s4 =	sadd.s32 $0xF42C00, s2;
	s6 =	smul.u32 $0xD0000, s1  }
0x7: {  	s10 =	sshll.u32 s10, $0x1;
	s8 =	ssub.s32 $0x2, s1;
	s9 =	smul.u32 $0x3400, s1  }
0x8: {  	_ =	strace $0x80000047;
	s1 =	sor.u32 s1, s10;
	[dreg:$0xc] =	wrdreg s31  }
0x9: {  	s17 =	sshrl.u32 s8, $0x1;
	s1 =	smul.u32 $0x3400, s1;
	s5 =	sadd.s32 s6, s5  }
0xa: {  	s18 =	sadd.s32 s9, s7;
	s2 =	ssub.s32 s8, s17;
	s19 =	sshrl.u32 s5, $0x3  }
0xb: {  	s6 =	sshll.u32 s18, $0x3;
	s2 =	smax.u32 s2, $0x1;
	[dreg:$0x4] =	wrdreg s19  }
0xc: {  	s16 =	simm.s32 $0x9400;
	s20 =	sor.u32 $0x1400, s6;
	[dreg:$0xe] =	wrdreg s2  }
0xd: {  	s1 =	sshrl.u32 s1, $0x3;
	s21 =	sor.u32 $0x1000, s6;
	[dreg:$0x5] =	wrdreg s20  }
0xe: {  	s10 =	simm.s32 $0x3400;
	s0 =	sadd.s32 s0, s1;
	[dreg:$0x6] =	wrdreg s21  }
0xf: {  	s8 =	simm.s32 $0x5400;
	s22 =	sor.u32 $0xC00, s6;
	[dreg:$0xd] =	wrdreg s0  }
0x10: {  	s25 =	sor.u32 $0xE000, s5;
	s23 =	sor.u32 $0x800, s6;
	[dreg:$0x7] =	wrdreg s22  }
0x11: {  	s29 =	sor.u32 $0xC000, s5;
	s24 =	sor.u32 $0x400, s6;
	[dreg:$0x8] =	wrdreg s23  }
0x12: {  	s18 =	simm.s32 $0xB400;
	s26 =	sshrl.u32 s25, $0x3;
	[dreg:$0x9] =	wrdreg s24  }
0x13: {  	s30 =	sshrl.u32 s29, $0x3;
	s19 =	simm.s32 $0x1;
	[dreg:$0xa] =	wrdreg s26  }
0x14: {  	s25 =	simm.s32 $0x6;
	s2 =	simm.s32 $0x0;
	[dreg:$0xb] =	wrdreg s30  }
0x15: {  	s20 =	simm.s32 $0x11400;
	s21 =	simm.s32 $0x2;
	s22 =	simm.s32 $0x3  }
0x16: {  	s23 =	simm.s32 $0x4;
	s24 =	simm.s32 $0x5;
	s26 =	simm.s32 $0x7  }
.LBB2_1:
0x17: {  	[dreg:$0xf] =	wrdreg s2  }
0x18: {  	s0 =	rddreg [dreg:$0xd];
	s13 =	simm.s32 $0x11  }
0x19: {  	[tilespmem:s3], [sflag:$0x11] =	stream.linear.gather [hbm4b:s0+s3], $0x3400, $0x38;
	[tilespmem:$0x13400] =	vst v63  }
0x1a: {  	_ =	swait.ge [sflag:s13], $0x3400  }
0x1b: {  	[sflag:s13] =	ssyncset.done $0x0  }
0x1c: {  	s5 =	simm.s32 $0x3400;
	s7 =	simm.s32 $0x80;
	[sflag:s13] =	ssyncadd.s32 $0xFFFFCC00  }
0x1d: {  	[tilespmem:s5], [sflag:$0x1] =	stream.indirect.gather [hbm4b:s4+s7], $0x40, s3, s7, $0xb8;
	[tilespmem:$0x13400] =	vst v63  }
0x1e: {  	s6 =	simm.s32 $0x5400  }
0x1f: {  	[tilespmem:s6], [sflag:$0x2] =	stream.indirect.gather [hbm4b:s4+s7], $0x40, s7, s7, $0xb8;
	[tilespmem:$0x13400] =	vst v63  }
0x20: {  	s15 =	simm.s32 $0x100;
	s11 =	simm.s32 $0x7400  }
0x21: {  	[tilespmem:s11], [sflag:$0x3] =	stream.indirect.gather [hbm4b:s4+s7], $0x40, s15, s7, $0xb8;
	[tilespmem:$0x13400] =	vst v63  }
0x22: {  	s17 =	simm.s32 $0x180;
	p0 =	por $0x1, $0x1;
	s13 =	simm.s32 $0x9400  }
0x23: {  	[tilespmem:s13], [sflag:$0x4] =	stream.indirect.gather [hbm4b:s4+s7], $0x40, s17, s7, $0xb8;
	[tilespmem:$0x13400] =	vst v63  }
0x24: {  	s31 =	simm.s32 $0x200;
	p1 =	por p0, p0;
	s15 =	simm.s32 $0xB400  }
0x25: {  	[tilespmem:s15], [sflag:$0x5] =	stream.indirect.gather [hbm4b:s4+s7], $0x40, s31, s7, $0xb8;
	[tilespmem:$0x13400] =	vst v63  }
0x26: {  	s1 =	simm.s32 $0x280;
	s0 =	simm.s32 @!p1 $0xF;
	s17 =	simm.s32 $0xD400  }
0x27: {  	[tilespmem:s17], [sflag:$0x6] =	stream.indirect.gather [hbm4b:s4+s7], $0x40, s1, s7, $0xb8;
	[tilespmem:$0x13400] =	vst v63  }
0x28: {  	_ =	swait.ge @!p1 [sflag:s0], $0x2000  }
0x29: {  	s2 =	simm.s32 @!p1 $0xF400;
	s1 =	simm.s32 @!p0 $0x300;
	[sflag:s0] =	ssyncset.done @!p1 $0x0  }
0x2a: {  	p0 =	por $0x0, $0x0;
	[sflag:s0] =	ssyncadd.s32 @!p1 $0xFFFFE000;
	s0 =	simm.s32 @!p1 $0x80  }
0x2b: {  	[tilespmem:s2], [sflag:$0x7] =	stream.indirect.gather @!p1 [hbm4b:s4+s0], $0x40, s1, s0, $0xb8;
	[tilespmem:$0x13400] =	vst v63  }
0x2c: {  	s0 =	simm.s32 @!p0 $0x80;
	s1 =	simm.s32 @!p0 $0x300;
	s2 =	simm.s32 @!p0 $0xF400  }
0x2d: {  	[tilespmem:s2], [sflag:$0x7] =	stream.indirect.gather @!p0 [hbm4b:s4+s0], $0x40, s1, s0, $0xb8;
	[tilespmem:$0x13400] =	vst v63  }
0x2e: {  	_ =	swait.ge [sflag:s19], $0x2000  }
0x2f: {  	[sflag:s19] =	ssyncset.done $0x0  }
0x30: {  	s2 =	rddreg [dreg:$0x4];
	[sflag:s19] =	ssyncadd.s32 $0xFFFFE000  }
0x31: {  	s9 =	rddreg [dreg:$0x2]  }
0x32: {  	p0 =	por $0x1, $0x1;
	s0 =	sadd.s32 s9, s2  }
0x33: {  	[hbm4b:s0+s3] =	stream.linear.scatter [tilespmem:s5], [sflag:$0x9], $0x2000, $0x38;
	[tilespmem:$0x13400] =	vst v63  }
0x34: {  	s0 =	simm.s32 @!p0 $0x10  }
0x35: {  	_ =	swait.ge @!p0 [sflag:s0], $0x2000  }
0x36: {  	s1 =	simm.s32 @!p0 $0x380;
	[sflag:s0] =	ssyncset.done @!p0 $0x0  }
0x37: {  	s1 =	simm.s32 @p0 $0x380;
	[sflag:s0] =	ssyncadd.s32 @!p0 $0xFFFFE000  }
0x38: {  	[tilespmem:s20], [sflag:$0x8] =	stream.indirect.gather [hbm4b:s4+s7], $0x40, s1, s7, $0xb8;
	[tilespmem:$0x13400] =	vst v63  }
0x39: {  	_ =	swait.ge [sflag:s21], $0x2000  }
0x3a: {  	p0 =	por $0x0, $0x0;
	s5 =	rddreg [dreg:$0x9];
	[sflag:s21] =	ssyncset.done $0x0  }
0x3b: {  	s1 =	simm.s32 @!p0 $0x9;
	[sflag:s21] =	ssyncadd.s32 $0xFFFFE000;
	s0 =	sadd.s32 s9, s5  }
0x3c: {  	[hbm4b:s0+s3] =	stream.linear.scatter [tilespmem:s6], [sflag:$0xA], $0x2000, $0x38;
	[tilespmem:$0x13400] =	vst v63  }
0x3d: {  	_ =	swait.ge @!p0 [sflag:s1], $0x2000  }
0x3e: {  	s2 =	simm.s32 @!p0 $0x400;
	[sflag:s1] =	ssyncset.done @!p0 $0x0  }
0x3f: {  	s5 =	simm.s32 @!p0 $0x3400;
	s0 =	simm.s32 @!p0 $0x80;
	[sflag:s1] =	ssyncadd.s32 @!p0 $0xFFFFE000  }
0x40: {  	[tilespmem:s5], [sflag:$0x1] =	stream.indirect.gather @!p0 [hbm4b:s4+s0], $0x40, s2, s0, $0xb8;
	[tilespmem:$0x13400] =	vst v63  }
0x41: {  	_ =	swait.ge [sflag:s22], $0x2000  }
0x42: {  	s7 =	rddreg [dreg:$0x8];
	[sflag:s22] =	ssyncset.done $0x0  }
0x43: {  	s2 =	simm.s32 @!p0 $0xA;
	[sflag:s22] =	ssyncadd.s32 $0xFFFFE000;
	s1 =	sadd.s32 s9, s7  }
0x44: {  	[hbm4b:s1+s3] =	stream.linear.scatter [tilespmem:s11], [sflag:$0xB], $0x2000, $0x38;
	[tilespmem:$0x13400] =	vst v63  }
0x45: {  	_ =	swait.ge @!p0 [sflag:s2], $0x2000  }
0x46: {  	[sflag:s2] =	ssyncset.done @!p0 $0x0  }
0x47: {  	s5 =	simm.s32 @!p0 $0x5400;
	s1 =	simm.s32 @!p0 $0x480;
	[sflag:s2] =	ssyncadd.s32 @!p0 $0xFFFFE000  }
0x48: {  	[tilespmem:s5], [sflag:$0x2] =	stream.indirect.gather @!p0 [hbm4b:s4+s0], $0x40, s1, s0, $0xb8;
	[tilespmem:$0x13400] =	vst v63  }
0x49: {  	_ =	swait.ge [sflag:s23], $0x2000  }
0x4a: {  	s11 =	rddreg [dreg:$0x7];
	[sflag:s23] =	ssyncset.done $0x0  }
0x4b: {  	s2 =	simm.s32 @!p0 $0xB;
	[sflag:s23] =	ssyncadd.s32 $0xFFFFE000;
	s1 =	sadd.s32 s9, s11  }
0x4c: {  	[hbm4b:s1+s3] =	stream.linear.scatter [tilespmem:s13], [sflag:$0xC], $0x2000, $0x38;
	[tilespmem:$0x13400] =	vst v63  }
0x4d: {  	_ =	swait.ge @!p0 [sflag:s2], $0x2000  }
0x4e: {  	[sflag:s2] =	ssyncset.done @!p0 $0x0  }
0x4f: {  	s5 =	simm.s32 @!p0 $0x7400;
	s1 =	simm.s32 @!p0 $0x500;
	[sflag:s2] =	ssyncadd.s32 @!p0 $0xFFFFE000  }
0x50: {  	[tilespmem:s5], [sflag:$0x3] =	stream.indirect.gather @!p0 [hbm4b:s4+s0], $0x40, s1, s0, $0xb8;
	[tilespmem:$0x13400] =	vst v63  }
0x51: {  	_ =	swait.ge [sflag:s24], $0x2000  }
0x52: {  	s13 =	rddreg [dreg:$0x6];
	[sflag:s24] =	ssyncset.done $0x0  }
0x53: {  	s2 =	simm.s32 @!p0 $0xC;
	[sflag:s24] =	ssyncadd.s32 $0xFFFFE000;
	s1 =	sadd.s32 s9, s13  }
0x54: {  	[hbm4b:s1+s3] =	stream.linear.scatter [tilespmem:s15], [sflag:$0xD], $0x2000, $0x38;
	[tilespmem:$0x13400] =	vst v63  }
0x55: {  	_ =	swait.ge @!p0 [sflag:s2], $0x2000  }
0x56: {  	[sflag:s2] =	ssyncset.done @!p0 $0x0  }
0x57: {  	s5 =	simm.s32 @!p0 $0x9400;
	s1 =	simm.s32 @!p0 $0x580;
	[sflag:s2] =	ssyncadd.s32 @!p0 $0xFFFFE000  }
0x58: {  	[tilespmem:s5], [sflag:$0x4] =	stream.indirect.gather @!p0 [hbm4b:s4+s0], $0x40, s1, s0, $0xb8;
	[tilespmem:$0x13400] =	vst v63  }
0x59: {  	_ =	swait.ge [sflag:s25], $0x2000  }
0x5a: {  	s15 =	rddreg [dreg:$0x5];
	[sflag:s25] =	ssyncset.done $0x0  }
0x5b: {  	s2 =	simm.s32 @!p0 $0xD;
	[sflag:s25] =	ssyncadd.s32 $0xFFFFE000;
	s1 =	sadd.s32 s9, s15  }
0x5c: {  	[hbm4b:s1+s3] =	stream.linear.scatter [tilespmem:s17], [sflag:$0xE], $0x2000, $0x38;
	[tilespmem:$0x13400] =	vst v63  }
0x5d: {  	_ =	swait.ge @!p0 [sflag:s2], $0x2000  }
0x5e: {  	[sflag:s2] =	ssyncset.done @!p0 $0x0  }
0x5f: {  	s5 =	simm.s32 @!p0 $0xB400;
	s1 =	simm.s32 @!p0 $0x600;
	[sflag:s2] =	ssyncadd.s32 @!p0 $0xFFFFE000  }
0x60: {  	[tilespmem:s5], [sflag:$0x5] =	stream.indirect.gather @!p0 [hbm4b:s4+s0], $0x40, s1, s0, $0xb8;
	[tilespmem:$0x13400] =	vst v63  }
0x61: {  	_ =	swait.ge [sflag:s26], $0x2000  }
0x62: {  	s5 =	simm.s32 @!p0 $0xE;
	s17 =	rddreg [dreg:$0xb];
	[sflag:s26] =	ssyncset.done $0x0  }
0x63: {  	s31 =	rddreg [dreg:$0xc];
	[sflag:s26] =	ssyncadd.s32 $0xFFFFE000;
	s1 =	sadd.s32 s9, s17  }
0x64: {  	[hbm4b:s1+s3] =	stream.linear.scatter [tilespmem:s31], [sflag:$0xF], $0x2000, $0x38;
	[tilespmem:$0x13400] =	vst v63  }
0x65: {  	p1 =	por $0x0, $0x0;
	_ =	swait.ge @!p0 [sflag:s5], $0x2000  }
0x66: {  	s30 =	simm.s32 $0x8;
	s29 =	simm.s32 @!p1 $0x700;
	[sflag:s5] =	ssyncset.done @!p0 $0x0  }
0x67: {  	s2 =	simm.s32 @!p0 $0xD400;
	s1 =	simm.s32 @!p0 $0x680;
	[sflag:s5] =	ssyncadd.s32 @!p0 $0xFFFFE000  }
0x68: {  	[tilespmem:s2], [sflag:$0x6] =	stream.indirect.gather @!p0 [hbm4b:s4+s0], $0x40, s1, s0, $0xb8;
	[tilespmem:$0x13400] =	vst v63  }
0x69: {  	s6 =	simm.s32 $0x1000;
	s7 =	simm.s32 $0x2000;
	_ =	swait.ge [sflag:s28], $0x2000  }
0x6a: {  	s5 =	sadd.s32 $0x2000, s9;
	p0 =	por p1, p1;
	[sflag:s28] =	ssyncset.done $0x0  }
0x6b: {  	s2 =	smov.u32 s9;
	s0 =	rddreg [dreg:$0xa];
	[sflag:s28] =	ssyncadd.s32 $0xFFFFE000  }
.LBB2_2:
0x6c: {  	p2 =	sgt.u32 s30, $0x5F;
	s1 =	simm.s32 @!p0 $0xF;
	s0 =	sadd.s32 s2, s0  }
0x6d: {  	[hbm4b:s0+s3] =	stream.linear.scatter [tilespmem:s20], [sflag:$0x10], $0x2000, $0x38;
	[tilespmem:$0x13400] =	vst v63  }
0x6e: {  	s11 =	smov.u32 s7;
	p1 =	sne.s32 s6, $0x0;
	_ =	swait.ge @!p0 [sflag:s1], $0x2000  }
0x6f: {  	s13 =	simm.s32 @!p0 $0xF400;
	s0 =	sshra.s32 @!p2 s11, $0x2;
	[sflag:s1] =	ssyncset.done @!p0 $0x0  }
0x70: {  	s15 =	simm.s32 @!p1 $0xF400;
	[sflag:s1] =	ssyncadd.s32 @!p0 $0xFFFFE000;
	s1 =	simm.s32 @!p0 $0x80  }
0x71: {  	[tilespmem:s13], [sflag:$0x7] =	stream.indirect.gather @!p0 [hbm4b:s4+s1], $0x40, s29, s1, $0xb8;
	[tilespmem:$0x13400] =	vst v63  }
0x72: {  	s0 =	sadd.s32 @!p2 $0x300, s0;
	s1 =	simm.s32 @!p1 $0x80;
	s13 =	simm.s32 @!p1 $0x300  }
0x73: {  	[tilespmem:s15], [sflag:$0x7] =	stream.indirect.gather @!p1 [hbm4b:s4+s1], $0x40, s13, s1, $0xb8;
	[tilespmem:$0x13400] =	vst v63  }
0x74: {  	s29 =	smov.u32 s0;
	_ =	swait.ge [sflag:s19], $0x2000  }
0x75: {  	p0 =	por p2, p2;
	s15 =	rddreg [dreg:$0x4];
	[sflag:s19] =	ssyncset.done $0x0  }
0x76: {  	p2 =	seq.s32 s6, $0x0;
	[sflag:s19] =	ssyncadd.s32 $0xFFFFE000;
	s0 =	sadd.s32 s5, s15  }
0x77: {  	[hbm4b:s0+s3] =	stream.linear.scatter [tilespmem:s10], [sflag:$0x9], $0x2000, $0x38;
	[tilespmem:$0x13400] =	vst v63  }
0x78: {  	s0 =	simm.s32 @!p2 $0x10  }
0x79: {  	s1 =	sshra.s32 @!p2 s6, $0x2;
	_ =	swait.ge @!p2 [sflag:s0], $0x2000  }
0x7a: {  	s1 =	sadd.s32 @!p2 $0x380, s1;
	[sflag:s0] =	ssyncset.done @!p2 $0x0  }
0x7b: {  	s1 =	simm.s32 @p2 $0x380;
	[sflag:s0] =	ssyncadd.s32 @!p2 $0xFFFFE000  }
0x7c: {  	[tilespmem:s20], [sflag:$0x8] =	stream.indirect.gather [hbm4b:s4+s12], $0x40, s1, s12, $0xb8;
	[tilespmem:$0x13400] =	vst v63  }
0x7d: {  	p2 =	seq.s32 s6, $0xC000;
	_ =	swait.ge [sflag:s21], $0x2000  }
0x7e: {  	s13 =	simm.s32 @!p2 $0x9;
	s17 =	rddreg [dreg:$0x9];
	[sflag:s21] =	ssyncset.done $0x0  }
0x7f: {  	s6 =	sshra.s32 @!p2 s6, $0x2;
	[sflag:s21] =	ssyncadd.s32 $0xFFFFE000;
	s0 =	sadd.s32 s5, s17  }
0x80: {  	[hbm4b:s0+s3] =	stream.linear.scatter [tilespmem:s8], [sflag:$0xA], $0x2000, $0x38;
	[tilespmem:$0x13400] =	vst v63  }
0x81: {  	s1 =	simm.s32 @!p2 $0x80;
	s31 =	sadd.s32 @!p2 $0x480, s6;
	_ =	swait.ge @!p2 [sflag:s13], $0x2000  }
0x82: {  	s9 =	sadd.s32 @!p2 $0x500, s6;
	s15 =	sadd.s32 @!p2 $0x580, s6;
	[sflag:s13] =	ssyncset.done @!p2 $0x0  }
0x83: {  	s17 =	simm.s32 @!p2 $0x3400;
	s0 =	sadd.s32 @!p2 $0x400, s6;
	[sflag:s13] =	ssyncadd.s32 @!p2 $0xFFFFE000  }
0x84: {  	[tilespmem:s17], [sflag:$0x1] =	stream.indirect.gather @!p2 [hbm4b:s4+s1], $0x40, s0, s1, $0xb8;
	[tilespmem:$0x13400] =	vst v63  }
0x85: {  	s13 =	sadd.s32 @!p2 $0x600, s6;
	s0 =	sadd.s32 @!p2 $0x680, s6;
	_ =	swait.ge [sflag:s22], $0x2000  }
0x86: {  	s6 =	smov.u32 s11;
	s17 =	rddreg [dreg:$0x8];
	[sflag:s22] =	ssyncset.done $0x0  }
0x87: {  	[sflag:s22] =	ssyncadd.s32 $0xFFFFE000;
	s11 =	sadd.s32 s5, s17;
	s17 =	simm.s32 @!p2 $0xA  }
0x88: {  	[hbm4b:s11+s3] =	stream.linear.scatter [tilespmem:s14], [sflag:$0xB], $0x2000, $0x38;
	[tilespmem:$0x13400] =	vst v63  }
0x89: {  	_ =	swait.ge @!p2 [sflag:s17], $0x2000  }
0x8a: {  	[sflag:s17] =	ssyncset.done @!p2 $0x0  }
0x8b: {  	s11 =	simm.s32 @!p2 $0x5400;
	[sflag:s17] =	ssyncadd.s32 @!p2 $0xFFFFE000  }
0x8c: {  	[tilespmem:s11], [sflag:$0x2] =	stream.indirect.gather @!p2 [hbm4b:s4+s1], $0x40, s31, s1, $0xb8;
	[tilespmem:$0x13400] =	vst v63  }
0x8d: {  	_ =	swait.ge [sflag:s23], $0x2000  }
0x8e: {  	s31 =	rddreg [dreg:$0x7];
	[sflag:s23] =	ssyncset.done $0x0  }
0x8f: {  	s17 =	simm.s32 @!p2 $0xB;
	[sflag:s23] =	ssyncadd.s32 $0xFFFFE000;
	s11 =	sadd.s32 s5, s31  }
0x90: {  	[hbm4b:s11+s3] =	stream.linear.scatter [tilespmem:s16], [sflag:$0xC], $0x2000, $0x38;
	[tilespmem:$0x13400] =	vst v63  }
0x91: {  	_ =	swait.ge @!p2 [sflag:s17], $0x2000  }
0x92: {  	[sflag:s17] =	ssyncset.done @!p2 $0x0  }
0x93: {  	s11 =	simm.s32 @!p2 $0x7400;
	[sflag:s17] =	ssyncadd.s32 @!p2 $0xFFFFE000  }
0x94: {  	[tilespmem:s11], [sflag:$0x3] =	stream.indirect.gather @!p2 [hbm4b:s4+s1], $0x40, s9, s1, $0xb8;
	[tilespmem:$0x13400] =	vst v63  }
0x95: {  	_ =	swait.ge [sflag:s24], $0x2000  }
0x96: {  	s11 =	rddreg [dreg:$0x6];
	[sflag:s24] =	ssyncset.done $0x0  }
0x97: {  	[sflag:s24] =	ssyncadd.s32 $0xFFFFE000;
	s9 =	sadd.s32 s5, s11;
	s11 =	simm.s32 @!p2 $0xC  }
0x98: {  	[hbm4b:s9+s3] =	stream.linear.scatter [tilespmem:s18], [sflag:$0xD], $0x2000, $0x38;
	[tilespmem:$0x13400] =	vst v63  }
0x99: {  	_ =	swait.ge @!p2 [sflag:s11], $0x2000  }
0x9a: {  	[sflag:s11] =	ssyncset.done @!p2 $0x0  }
0x9b: {  	s9 =	simm.s32 @!p2 $0x9400;
	[sflag:s11] =	ssyncadd.s32 @!p2 $0xFFFFE000  }
0x9c: {  	[tilespmem:s9], [sflag:$0x4] =	stream.indirect.gather @!p2 [hbm4b:s4+s1], $0x40, s15, s1, $0xb8;
	[tilespmem:$0x13400] =	vst v63  }
0x9d: {  	_ =	swait.ge [sflag:s25], $0x2000  }
0x9e: {  	s31 =	simm.s32 $0xD400;
	s17 =	rddreg [dreg:$0x5];
	[sflag:s25] =	ssyncset.done $0x0  }
0x9f: {  	s11 =	simm.s32 @!p2 $0xD;
	[sflag:s25] =	ssyncadd.s32 $0xFFFFE000;
	s9 =	sadd.s32 s5, s17  }
0xa0: {  	[hbm4b:s9+s3] =	stream.linear.scatter [tilespmem:s31], [sflag:$0xE], $0x2000, $0x38;
	[tilespmem:$0x13400] =	vst v63  }
0xa1: {  	_ =	swait.ge @!p2 [sflag:s11], $0x2000  }
0xa2: {  	[sflag:s11] =	ssyncset.done @!p2 $0x0  }
0xa3: {  	s9 =	simm.s32 @!p2 $0xB400;
	[sflag:s11] =	ssyncadd.s32 @!p2 $0xFFFFE000  }
0xa4: {  	[tilespmem:s9], [sflag:$0x5] =	stream.indirect.gather @!p2 [hbm4b:s4+s1], $0x40, s13, s1, $0xb8;
	[tilespmem:$0x13400] =	vst v63  }
0xa5: {  	_ =	swait.ge [sflag:s26], $0x2000  }
0xa6: {  	s13 =	simm.s32 @!p2 $0xE;
	s17 =	rddreg [dreg:$0xb];
	[sflag:s26] =	ssyncset.done $0x0  }
0xa7: {  	s31 =	rddreg [dreg:$0xc];
	[sflag:s26] =	ssyncadd.s32 $0xFFFFE000;
	s9 =	sadd.s32 s5, s17  }
0xa8: {  	[hbm4b:s9+s3] =	stream.linear.scatter [tilespmem:s31], [sflag:$0xF], $0x2000, $0x38;
	[tilespmem:$0x13400] =	vst v63  }
0xa9: {  	s7 =	sadd.s32 $0x1000, s7;
	_ =	swait.ge @!p2 [sflag:s13], $0x2000  }
0xaa: {  	p1 =	sne.s32 s7, $0xD000;
	[sflag:s13] =	ssyncset.done @!p2 $0x0  }
.Ltmp0:
0xab: {  	s9 =	simm.s32 @!p2 $0xD400;
	[sflag:s13] =	ssyncadd.s32 @!p2 $0xFFFFE000;
	(pc) =	sbr.rel @p1 .LBB2_2-.Ltmp0, $4  }
0xac: {  	[tilespmem:s9], [sflag:$0x6] =	stream.indirect.gather @!p2 [hbm4b:s4+s1], $0x40, s0, s1, $0xb8;
	[tilespmem:$0x13400] =	vst v63  }
0xad: {  	_ =	swait.ge [sflag:s28], $0x2000  }
0xae: {  	s2 =	smov.u32 s5;
	s30 =	sadd.s32 $0x8, s30;
	[sflag:s28] =	ssyncset.done $0x0  }
0xaf: {  	s5 =	sadd.s32 $0x2000, s5;
	s0 =	rddreg [dreg:$0xa];
	[sflag:s28] =	ssyncadd.s32 $0xFFFFE000  }
0xb0: {  	s0 =	sadd.s32 s2, s0;
	s1 =	simm.s32 @!p0 $0xF  }
0xb1: {  	[hbm4b:s0+s3] =	stream.linear.scatter [tilespmem:s20], [sflag:$0x10], $0x2000, $0x38;
	[tilespmem:$0x13400] =	vst v63  }
0xb2: {  	_ =	swait.ge @!p0 [sflag:s1], $0x2000  }
0xb3: {  	p1 =	sne.s32 s6, $0x0;
	[sflag:s1] =	ssyncset.done @!p0 $0x0  }
0xb4: {  	s0 =	simm.s32 @!p0 $0x80;
	[sflag:s1] =	ssyncadd.s32 @!p0 $0xFFFFE000;
	s1 =	simm.s32 @!p0 $0xF400  }
0xb5: {  	[tilespmem:s1], [sflag:$0x7] =	stream.indirect.gather @!p0 [hbm4b:s4+s0], $0x40, s29, s0, $0xb8;
	[tilespmem:$0x13400] =	vst v63  }
0xb6: {  	s2 =	simm.s32 @!p1 $0xF400;
	s0 =	simm.s32 @!p1 $0x80;
	s1 =	simm.s32 @!p1 $0x300  }
0xb7: {  	[tilespmem:s2], [sflag:$0x7] =	stream.indirect.gather @!p1 [hbm4b:s4+s0], $0x40, s1, s0, $0xb8;
	[tilespmem:$0x13400] =	vst v63  }
0xb8: {  	_ =	swait.ge [sflag:s19], $0x2000  }
0xb9: {  	s9 =	rddreg [dreg:$0x4];
	[sflag:s19] =	ssyncset.done $0x0  }
0xba: {  	p0 =	seq.s32 s6, $0x0;
	[sflag:s19] =	ssyncadd.s32 $0xFFFFE000;
	s0 =	sadd.s32 s5, s9  }
0xbb: {  	[hbm4b:s0+s3] =	stream.linear.scatter [tilespmem:s10], [sflag:$0x9], $0x2000, $0x38;
	[tilespmem:$0x13400] =	vst v63  }
0xbc: {  	s0 =	simm.s32 @!p0 $0x10  }
0xbd: {  	s1 =	sshra.s32 @!p0 s6, $0x2;
	_ =	swait.ge @!p0 [sflag:s0], $0x2000  }
0xbe: {  	s1 =	sadd.s32 @!p0 $0x380, s1;
	[sflag:s0] =	ssyncset.done @!p0 $0x0  }
0xbf: {  	s1 =	simm.s32 @p0 $0x380;
	[sflag:s0] =	ssyncadd.s32 @!p0 $0xFFFFE000  }
0xc0: {  	[tilespmem:s20], [sflag:$0x8] =	stream.indirect.gather [hbm4b:s4+s12], $0x40, s1, s12, $0xb8;
	[tilespmem:$0x13400] =	vst v63  }
0xc1: {  	_ =	swait.ge [sflag:s21], $0x2000  }
0xc2: {  	p0 =	seq.s32 s6, $0xC000;
	s11 =	rddreg [dreg:$0x9];
	[sflag:s21] =	ssyncset.done $0x0  }
0xc3: {  	s2 =	simm.s32 @!p0 $0x9;
	[sflag:s21] =	ssyncadd.s32 $0xFFFFE000;
	s0 =	sadd.s32 s5, s11  }
0xc4: {  	[hbm4b:s0+s3] =	stream.linear.scatter [tilespmem:s8], [sflag:$0xA], $0x2000, $0x38;
	[tilespmem:$0x13400] =	vst v63  }
0xc5: {  	_ =	swait.ge @!p0 [sflag:s2], $0x2000  }
0xc6: {  	s1 =	simm.s32 @!p0 $0x80;
	s0 =	sshra.s32 @!p0 s6, $0x2;
	[sflag:s2] =	ssyncset.done @!p0 $0x0  }
0xc7: {  	s6 =	sadd.s32 @!p0 $0x400, s0;
	[sflag:s2] =	ssyncadd.s32 @!p0 $0xFFFFE000;
	s2 =	simm.s32 @!p0 $0x3400  }
0xc8: {  	[tilespmem:s2], [sflag:$0x1] =	stream.indirect.gather @!p0 [hbm4b:s4+s1], $0x40, s6, s1, $0xb8;
	[tilespmem:$0x13400] =	vst v63  }
0xc9: {  	_ =	swait.ge [sflag:s22], $0x2000  }
0xca: {  	s13 =	rddreg [dreg:$0x8];
	[sflag:s22] =	ssyncset.done $0x0  }
0xcb: {  	s6 =	simm.s32 @!p0 $0xA;
	[sflag:s22] =	ssyncadd.s32 $0xFFFFE000;
	s2 =	sadd.s32 s5, s13  }
0xcc: {  	[hbm4b:s2+s3] =	stream.linear.scatter [tilespmem:s14], [sflag:$0xB], $0x2000, $0x38;
	[tilespmem:$0x13400] =	vst v63  }
0xcd: {  	_ =	swait.ge @!p0 [sflag:s6], $0x2000  }
0xce: {  	[sflag:s6] =	ssyncset.done @!p0 $0x0  }
0xcf: {  	s2 =	sadd.s32 @!p0 $0x480, s0;
	[sflag:s6] =	ssyncadd.s32 @!p0 $0xFFFFE000;
	s6 =	simm.s32 @!p0 $0x5400  }
0xd0: {  	[tilespmem:s6], [sflag:$0x2] =	stream.indirect.gather @!p0 [hbm4b:s4+s1], $0x40, s2, s1, $0xb8;
	[tilespmem:$0x13400] =	vst v63  }
0xd1: {  	_ =	swait.ge [sflag:s23], $0x2000  }
0xd2: {  	s15 =	rddreg [dreg:$0x7];
	[sflag:s23] =	ssyncset.done $0x0  }
0xd3: {  	s6 =	simm.s32 @!p0 $0xB;
	[sflag:s23] =	ssyncadd.s32 $0xFFFFE000;
	s2 =	sadd.s32 s5, s15  }
0xd4: {  	[hbm4b:s2+s3] =	stream.linear.scatter [tilespmem:s16], [sflag:$0xC], $0x2000, $0x38;
	[tilespmem:$0x13400] =	vst v63  }
0xd5: {  	_ =	swait.ge @!p0 [sflag:s6], $0x2000  }
0xd6: {  	[sflag:s6] =	ssyncset.done @!p0 $0x0  }
0xd7: {  	s2 =	sadd.s32 @!p0 $0x500, s0;
	[sflag:s6] =	ssyncadd.s32 @!p0 $0xFFFFE000;
	s6 =	simm.s32 @!p0 $0x7400  }
0xd8: {  	[tilespmem:s6], [sflag:$0x3] =	stream.indirect.gather @!p0 [hbm4b:s4+s1], $0x40, s2, s1, $0xb8;
	[tilespmem:$0x13400] =	vst v63  }
0xd9: {  	_ =	swait.ge [sflag:s24], $0x2000  }
0xda: {  	s17 =	rddreg [dreg:$0x6];
	[sflag:s24] =	ssyncset.done $0x0  }
0xdb: {  	s6 =	simm.s32 @!p0 $0xC;
	[sflag:s24] =	ssyncadd.s32 $0xFFFFE000;
	s2 =	sadd.s32 s5, s17  }
0xdc: {  	[hbm4b:s2+s3] =	stream.linear.scatter [tilespmem:s18], [sflag:$0xD], $0x2000, $0x38;
	[tilespmem:$0x13400] =	vst v63  }
0xdd: {  	_ =	swait.ge @!p0 [sflag:s6], $0x2000  }
0xde: {  	[sflag:s6] =	ssyncset.done @!p0 $0x0  }
0xdf: {  	s2 =	sadd.s32 @!p0 $0x580, s0;
	[sflag:s6] =	ssyncadd.s32 @!p0 $0xFFFFE000;
	s6 =	simm.s32 @!p0 $0x9400  }
0xe0: {  	[tilespmem:s6], [sflag:$0x4] =	stream.indirect.gather @!p0 [hbm4b:s4+s1], $0x40, s2, s1, $0xb8;
	[tilespmem:$0x13400] =	vst v63  }
0xe1: {  	_ =	swait.ge [sflag:s25], $0x2000  }
0xe2: {  	s7 =	simm.s32 $0xD400;
	s29 =	rddreg [dreg:$0x5];
	[sflag:s25] =	ssyncset.done $0x0  }
0xe3: {  	s6 =	simm.s32 @!p0 $0xD;
	[sflag:s25] =	ssyncadd.s32 $0xFFFFE000;
	s2 =	sadd.s32 s5, s29  }
0xe4: {  	[hbm4b:s2+s3] =	stream.linear.scatter [tilespmem:s7], [sflag:$0xE], $0x2000, $0x38;
	[tilespmem:$0x13400] =	vst v63  }
0xe5: {  	_ =	swait.ge @!p0 [sflag:s6], $0x2000  }
0xe6: {  	[sflag:s6] =	ssyncset.done @!p0 $0x0  }
0xe7: {  	s2 =	sadd.s32 @!p0 $0x600, s0;
	[sflag:s6] =	ssyncadd.s32 @!p0 $0xFFFFE000;
	s6 =	simm.s32 @!p0 $0xB400  }
0xe8: {  	[tilespmem:s6], [sflag:$0x5] =	stream.indirect.gather @!p0 [hbm4b:s4+s1], $0x40, s2, s1, $0xb8;
	[tilespmem:$0x13400] =	vst v63  }
0xe9: {  	_ =	swait.ge [sflag:s26], $0x2000  }
0xea: {  	s30 =	rddreg [dreg:$0xb];
	[sflag:s26] =	ssyncset.done $0x0  }
0xeb: {  	s31 =	rddreg [dreg:$0xc];
	[sflag:s26] =	ssyncadd.s32 $0xFFFFE000;
	s2 =	sadd.s32 s5, s30  }
0xec: {  	[hbm4b:s2+s3] =	stream.linear.scatter [tilespmem:s31], [sflag:$0xF], $0x2000, $0x38;
	[tilespmem:$0x13400] =	vst v63  }
0xed: {  	s2 =	simm.s32 @!p0 $0xE  }
0xee: {  	_ =	swait.ge @!p0 [sflag:s2], $0x2000  }
0xef: {  	[sflag:s2] =	ssyncset.done @!p0 $0x0  }
0xf0: {  	s0 =	sadd.s32 @!p0 $0x680, s0;
	[sflag:s2] =	ssyncadd.s32 @!p0 $0xFFFFE000;
	s2 =	simm.s32 @!p0 $0xD400  }
0xf1: {  	[tilespmem:s2], [sflag:$0x6] =	stream.indirect.gather @!p0 [hbm4b:s4+s1], $0x40, s0, s1, $0xb8;
	[tilespmem:$0x13400] =	vst v63  }
0xf2: {  	_ =	swait.ge [sflag:s28], $0x2000  }
0xf3: {  	s2 =	rddreg [dreg:$0xa];
	[sflag:s28] =	ssyncset.done $0x0  }
0xf4: {  	s6 =	simm.s32 $0x9;
	s0 =	sadd.s32 s5, s2;
	[sflag:s28] =	ssyncadd.s32 $0xFFFFE000  }
0xf5: {  	[hbm4b:s0+s3] =	stream.linear.scatter [tilespmem:s20], [sflag:$0x10], $0x2000, $0x38;
	[tilespmem:$0x13400] =	vst v63  }
0xf6: {  	_ =	swait.ge [sflag:s6], $0x2000  }
0xf7: {  	[sflag:s6] =	ssyncset.done $0x0  }
0xf8: {  	s7 =	simm.s32 $0xA;
	[sflag:s6] =	ssyncadd.s32 $0xFFFFE000  }
0xf9: {  	_ =	swait.ge [sflag:s7], $0x2000  }
0xfa: {  	[sflag:s7] =	ssyncset.done $0x0  }
0xfb: {  	s9 =	simm.s32 $0xB;
	[sflag:s7] =	ssyncadd.s32 $0xFFFFE000  }
0xfc: {  	_ =	swait.ge [sflag:s9], $0x2000  }
0xfd: {  	[sflag:s9] =	ssyncset.done $0x0  }
0xfe: {  	s11 =	simm.s32 $0xC;
	[sflag:s9] =	ssyncadd.s32 $0xFFFFE000  }
0xff: {  	_ =	swait.ge [sflag:s11], $0x2000  }
0x100: {  	[sflag:s11] =	ssyncset.done $0x0  }
0x101: {  	s13 =	simm.s32 $0xD;
	[sflag:s11] =	ssyncadd.s32 $0xFFFFE000  }
0x102: {  	_ =	swait.ge [sflag:s13], $0x2000  }
0x103: {  	[sflag:s13] =	ssyncset.done $0x0  }
0x104: {  	s15 =	simm.s32 $0xE;
	[sflag:s13] =	ssyncadd.s32 $0xFFFFE000  }
0x105: {  	_ =	swait.ge [sflag:s15], $0x2000  }
0x106: {  	[sflag:s15] =	ssyncset.done $0x0  }
0x107: {  	s17 =	simm.s32 $0xF;
	[sflag:s15] =	ssyncadd.s32 $0xFFFFE000  }
0x108: {  	_ =	swait.ge [sflag:s17], $0x2000  }
0x109: {  	[sflag:s17] =	ssyncset.done $0x0  }
0x10a: {  	s29 =	simm.s32 $0x10;
	[sflag:s17] =	ssyncadd.s32 $0xFFFFE000  }
0x10b: {  	_ =	swait.ge [sflag:s29], $0x2000  }
0x10c: {  	s30 =	rddreg [dreg:$0xf]  }
0x10d: {  	s31 =	rddreg [dreg:$0xe];
	s2 =	sadd.s32 $0x1, s30  }
0x10e: {  	p0 =	sne.s32 s2, s31  }
.Ltmp1:
0x10f: {  	_ = 	snop;
	(pc) =	sbr.rel @p0 .LBB2_1-.Ltmp1, $3  }
0x110: {  	_ =	sdelay $0x1  }
0x111: {  	[sflag:s29] =	ssyncset.done $0x0  }
0x112: {  	[sflag:s29] =	ssyncadd.s32 $0xFFFFE000  }
0x113: {  	_ =	sfence.sel $0x180000  }
0x114: {  	[bflag:$0x0] =	sbarrier.arrive $0xFFFF  }
0x115: {  	_ =	strace $0x90000047  }
0x116: {  	s0 =	stileid.u32;
	[bflag:$0x2] =	sbarrier.arrive $0xFFFF  }
0x117: {  	p0 =	sne.s32 s0, $0x0;
	s0 =	rddreg [dreg:$0x3]  }
0x118: {  	s0 =	sadd.s32 @!p0 $0x100000, s0  }
0x119: {  	[sflag:s0] =	ssyncadd.tile.s32 @!p0 $0x1;
	_ =	shalt  }
.Lfunc_end2:
_tile_overlayer_lowered:
.L_overlay_start_2:
0x11a: {  	(tag) =	ssettag $0x2  }
0x11b: {  	s0 =	rddreg [dreg:$0x0];
	s2 =	stileid.u32  }
0x11c: {  	s1 =	rddreg [dreg:$0x1];
	p0 =	sne.s32 s2, $0x0  }
0x11d: {  	s3 =	rddreg [dreg:$0x2];
	[bflag:$0x3] =	sbarrier.arrive $0xFFFF;
	s2 =	simm.s32 @!p0 $0x1C11  }
0x11e: {  	[timem:s3], [sflag:s2] =	dma.local @!p0 [hbm:s0], s1  }
0x11f: {  	s0 =	simm.s32 @!p0 $0x11  }
0x120: {  	_ =	swait.ge @!p0 [sflag:s0], s1  }
0x121: {  	s1 =	ssub.s32 @!p0 $0x0, s1;
	[sflag:s0] =	ssyncset.done @!p0 $0x0  }
0x122: {  	[sflag:s0] =	ssyncadd.s32 @!p0 s1  }
0x123: {  	[bflag:$0x3] =	sbarrier.arrive $0xFFFF  }
0x124: {  	_ =	shalt  }

// kernel: sparse-core-data-format-call.cloned.1.call-start
scs
called_computation_lowered:
.L_overlay_start_0:
0x0: {  	s2 =	sld [smem:$0x3FD9]  }
0x1: {  	s3 =	sld [smem:$0x3FFE];
	_ =	sdelay $0x1  }
0x2: {  	s1 =	srdreg.scid  }
0x3: {  	s0 =	sand.u32 $0x1, s1  }
0x4: {  	s18 =	sshll.u32 s0, $0xA;
	s2 =	sadd.s32 s3, s2  }
0x5: {  	s2 =	sadd.s32 s2, s18  }
0x6: {  	[smem:$0x3FC6] =	sst s2  }
0x7: {  	_ = 	snop  }
0x8: {  	s2 =	sld [smem:$0x3FD0];
	(tm) =	ssettm $0x1  }
0x9: {  	s19 =	sld [smem:$0x3FFB];
	_ =	sdelay $0x3  }
0xa: {  	_ =	strace s19  }
0xb: {  	s3 =	sld [smem:$0x3FFC];
	_ =	sdelay $0x3  }
0xc: {  	_ =	strace s3  }
0xd: {  	s3 =	sld [smem:$0x3FFD];
	_ =	sdelay $0x3  }
0xe: {  	_ =	strace s3  }
0xf: {  	_ =	strace $0x8FFFFFFF  }
0x10: {  	s20 =	sld [smem:$0x3FDB];
	_ =	sdelay $0x1  }
0x11: {  	s4 =	simm.s32 $_scs_section_size  }
0x12: {  	s5 =	simm.s32 $_size__tile_overlayer_lowered;
	s6 =	simm.s32 $_tile_overlayer_lowered  }
0x13: {  	s23 =	simm.s32 $0x1BFF;
	s22 =	sshll.u32 s6, $0x1;
	s3 =	sadd.s32 s4, s20  }
0x14: {  	s7 =	simm.s32 $0x0;
	s21 =	sshll.u32 s5, $0x1;
	s5 =	sadd.s32 s22, s3  }
0x15: {  	[timem:s7], [sflag:s23] =	dma.local [hbm:s5], s21  }
0x16: {  	_ =	swait.ge [sflag:s23], s21  }
0x17: {  	s4 =	ssub.s32 $0x0, s21;
	[sflag:s23] =	ssyncset.done $0x0  }
0x18: {  	[sflag:s23] =	ssyncadd.s32 s4;
	_ =	sdelay $0x1  }
0x19: {  	s24 =	simm.s32 $0x1B8B  }
0x1a: {  	_ =	swait.ge [sflag:s24], $0x1  }
0x1b: {  	[sflag:s24] =	ssyncset.done $0x0  }
0x1c: {  	s26 =	simm.s32 $0x1B8E;
	s25 =	sld [smem:$0x3FFE];
	[sflag:s24] =	ssyncadd.s32 $0xFFFFFFFF  }
0x1d: {  	s27 =	simm.s32 $execute0_lowered;
	[smem:$0x3FD2] =	sst s26  }
0x1e: {  	s5 =	sshll.u32 s27, $0x1;
	_ =	strace $0x80000049;
	[dreg:$0x1] =	wrdreg $0xFFFFFFFF  }
0x1f: {  	s28 =	simm.s32 $_size_execute0_lowered;
	s3 =	sadd.s32 s3, s5;
	[dreg:$0x0] =	wrdreg $0x0  }
0x20: {  	s5 =	sshll.u32 s28, $0x1;
	[dreg:$0x2] =	wrdreg s3  }
0x21: {  	[dreg:$0x3] =	wrdreg s5  }
0x22: {  	[dreg:$0x4] =	wrdreg $0xC0  }
0x23: {  	_ =	task [dreg:s7], $0x5FFFF  }
0x24: {  	[dreg:$0x1] =	wrdreg $0xFFFFFFFF  }
0x25: {  	[dreg:$0x0] =	wrdreg $0x60  }
0x26: {  	[dreg:$0x2] =	wrdreg s25  }
0x27: {  	[dreg:$0x3] =	wrdreg s2  }
0x28: {  	[dreg:$0x4] =	wrdreg $0x9  }
0x29: {  	_ =	task.clear_ibuf [dreg:s7], $0x5FFFF;
	_ =	strace $0x90000049  }
0x2a: {  	s29 =	simm.s32 $0x9;
	_ =	strace $0x8000004B  }
0x2b: {  	_ =	swait.ge [sflag:s29], $0x1  }
0x2c: {  	[sflag:s29] =	ssyncadd.s32 $0xFFFFFFFF  }
0x2d: {  	_ =	strace $0x9000004B  }
0x2e: {  	_ =	sfence  }
0x2f: {  	s30 =	sld [smem:$0x0];
	_ =	sdelay $0x2  }
0x30: {  	s31 =	sshll.u32 s1, $0xD;
	s1 =	sshrl.u32 s1, $0x2  }
0x31: {  	s3 =	sand.u32 $0x4000, s31;
	s1 =	sadd.s32 s1, s30  }
0x32: {  	s0 =	sor.u32 s3, s0;
	s1 =	sshll.u32 s1, $0x11  }
0x33: {  	s0 =	sor.u32 s1, s0  }
0x34: {  	s0 =	sadd.s32 $0x8F2B, s0  }
0x35: {  	[sflag:s0] =	ssyncadd.remote.s32 $0x1  }
0x36: {  	_ =	sfence.sel $0xFFFF  }
0x37: {  	[dreg:$0x0] =	wrdreg $0xFFFFFFFF;
	(pc) =	sbr.abs _section_cstart, $3  }
0x38: {  	[dreg:$0x1] =	wrdreg $0xFFFFFFFF  }
0x39: {  	_ =	task.clear_ibuf [dreg:s7], $0x2FFFF;
	_ =	strace $0x9FFFFFFF  }
0x3a: {  	(tm) =	ssettm $0x7FFFFFFF  }
0x3b: {  	_ =	shalt  }
tec
execute0_lowered:
.L_overlay_start_1:
0x0: {  	(tag) =	ssettag $0x1  }
0x1: {  	s0 =	srdreg.scid  }
0x2: {  	s1 =	sshll.u32 s0, $0x4  }
0x3: {  	s4 =	rddreg [dreg:$0x0];
	s0 =	stileid.u32;
	s1 =	sand.u32 $0x10, s1  }
0x4: {  	s2 =	rddreg [dreg:$0x1];
	s7 =	simm.s32 $0x1;
	s1 =	sor.u32 s0, s1  }
0x5: {  	s8 =	simm.s32 $0x2;
	s11 =	simm.s32 $0x0;
	s3 =	sshll.u32 s1, $0x7  }
0x6: {  	s10 =	simm.s32 $0x0;
	s4 =	sadd.s32 $0x800, s4;
	s6 =	ssub.s32 $0x68000, s3  }
.Ltmp0:
0x7: {  	s1 =	rddreg [dreg:$0x2];
	s5 =	sand.u32 $0xF80, s6;
	(pc) =	sbr.rel .LBB1_1-.Ltmp0, $4  }
0x8: {  	_ =	strace $0x8000004A;
	s9 =	smov.u32 s3;
	p0 =	sne.s32 s5, $0x0  }
0x9: {  	s6 =	sshrl.u32 s6, $0xC;
	s5 =	simm.s32 $0x1;
	s7 =	simm.s32 @!p0 $0x0  }
0xa: {  	[sflag:s5] =	ssyncpa.u1 $0x0;
	p0 =	por $0x0, $0x0;
	s6 =	sadd.s32 s7, s6  }
0xb: {  	[sflag:s8] =	ssyncpa.u1 $0x0;
	s8 =	simm.s32 $0x340000;
	s7 =	sadd.s32 $0x1, s6  }
.LBB1_4:
0xc: {  	s14 =	sshll.u32 s11, $0x3  }
0xd: {  	s30 =	sand.u32 $0x7F, s11;
	s15 =	sand.u32 $0xFFFFFC00, s14  }
0xe: {  	s11 =	sor.u32 s30, s15  }
0xf: {  	s15 =	smulhi.u32 $0x4EC4EC4F, s11  }
0x10: {  	s14 =	smulhi.u32 $0x4EC4EC4F, s14  }
0x11: {  	s15 =	sshrl.u32 s15, $0x11  }
0x12: {  	s14 =	sshrl.u32 s14, $0x11;
	s15 =	smul.u32 $0x68000, s15  }
0x13: {  	s14 =	sand.u32 $0x3F, s14  }
0x14: {  	s14 =	smul.u32 $0xD000, s14;
	s11 =	ssub.s32 s11, s15  }
0x15: {  	[tilespmem:s13+$0x810 ss:$0x81] =	vst.msk $0xffff, v2;
	s15 =	sand.u32 $0x7, s11  }
0x16: {  	[tilespmem:s13+$0x1020 ss:$0x81] =	vst.msk $0xffff, v0;
	s14 =	sadd.s32 s2, s14;
	s11 =	sshrl.u32 s11, $0x3;
	s15 =	sshll.u32 s15, $0x12  }
0x17: {  	[tilespmem:s13+$0x0 ss:$0x81] =	vst.msk $0xffff, v1;
	s11 =	sadd.s32 s11, s14;
	s31 =	sor.u32 $0x400, s15  }
0x18: {  	[hbm4b:s11+s31] =	stream.strided.scatter [tilespmem:s12], [sflag:$0x2], $0x2000, s8, s31, $0x20;
	[tilespmem:$0x8080] =	vst v63  }
.LBB1_5:
0x19: {  	s13 =	sadd.s32 $0x1000, s9  }
0x1a: {  	p2 =	sgt.s32 s13, $0x67FFF  }
0x1b: {  	s13 =	smov.u32 @p2 s3;
	p2 =	sne.s32 s10, s7  }
.Ltmp1:
0x1c: {  	p1 =	slt.u32 s10, $0x2;
	(pc) =	sbr.rel @!p2 .LBB1_6-.Ltmp1, $4  }
0x1d: {  	s12 =	simm.s32 @!p1 $0x2  }
0x1e: {  	s14 =	sadd.s32 $0x1, s10;
	_ =	swait.ge @!p1 [sflag:s12], $0x2000  }
0x1f: {  	s11 =	smov.u32 s9;
	p0 =	por !p0, !p0;
	[sflag:s12] =	ssyncset.done @!p1 $0x0  }
0x20: {  	s10 =	smov.u32 s14;
	s9 =	smov.u32 s13;
	[sflag:s12] =	ssyncadd.s32 @!p1 $0xFFFFE000  }
.LBB1_1:
0x21: {  	p1 =	sge.u32 s10, s6  }
0x22: {  	s12 =	sand.u32 @!p1 $0x1FFFFFF, s9  }
0x23: {  	s13 =	smulhi.u32 @!p1 $0x2762763, s12;
	_ =	sdelay $0x1  }
0x24: {  	s13 =	sshrl.u32 @!p1 s13, $0xC  }
0x25: {  	s13 =	smul.u32 @!p1 $0x68000, s13;
	_ =	sdelay $0x1  }
0x26: {  	s31 =	sadd.s32 $0xFFFFFFFF, s10;
	s14 =	sxor.u32 @!p1 $0xFFFFFFFF, s10;
	s12 =	ssub.s32 @!p1 s12, s13  }
0x27: {  	s15 =	simm.s32 @!p1 $0x80;
	s14 =	sshll.u32 @!p1 s14, $0xD;
	s12 =	sshll.u32 @!p1 s12, $0x4  }
0x28: {  	s13 =	sand.u32 @!p1 $0x2000, s14;
	s14 =	simm.s32 @!p1 $0x40;
	s12 =	sadd.s32 @!p1 s4, s12  }
0x29: {  	[tilespmem:s13], [sflag:$0x1] =	stream.strided.gather @!p1 [hbm4b:s12+s14], $0x2000, s15, s14, $0x38;
	[tilespmem:$0x8080] =	vst v63  }
0x2a: {  	p1 =	sge.u32 s31, s6  }
.Ltmp2:
0x2b: {  	_ = 	snop;
	(pc) =	sbr.rel @p1 .LBB1_5-.Ltmp2, $1  }
0x2c: {  	_ =	sdelay $0x3  }
0x2d: {  	s12 =	simm.s32 $0x1  }
0x2e: {  	_ =	swait.ge [sflag:s5], $0x2000;
	s12 =	simm.s32 @!p0 $0x0  }
0x2f: {  	[sflag:s5] =	ssyncset.done $0x0;
	s13 =	sshll.u32 s12, $0xD  }
0x30: {  	[sflag:s5] =	ssyncadd.s32 $0xFFFFE000;
	s16 =	sor.u32 $0x20, s13  }
0x31: {  	s12 =	smul.u32 $0x8100, s12;
	v3 =	vld [tilespmem:s16+$0x10]  }
0x32: {  	s30 =	sand.u32 $0x1, s10;
	v2 =	vld [tilespmem:s16+$0xFFFFFFF0]  }
0x33: {  	s13 =	smul.u32 $0x8100, s30;
	s12 =	sshrl.u32 s12, $0x2;
	v0 =	vld [tilespmem:s16+$0x0]  }
0x34: {  	v1 =	vld [tilespmem:s16+$0xFFFFFFE0];
	s14 =	sor.u32 $0x4000, s12  }
0x35: {  	s31 =	sshrl.u32 s13, $0x2;
	s13 =	sadd.s32 $0x0, s14  }
0x36: {  	s15 =	simm.s32 $0x4;
	s16 =	sadd.s32 $0x40, s16;
	s12 =	sor.u32 $0x4000, s31;
	[tilespmem:s13+$0x1830 ss:$0x81] =	vst.msk $0xffff, v3  }
.LBB1_3:
0x37: {  	v3 =	vld [tilespmem:s16+$0x10];
	p1 =	sne.s32 s15, $0x1FC;
	[tilespmem:s13+$0x810 ss:$0x81] =	vst.msk $0xffff, v2;
	s17 =	smov.u32 s15;
	s15 =	sadd.s32 $0x4, s15  }
.Ltmp3:
0x38: {  	v2 =	vld [tilespmem:s16+$0xFFFFFFF0];
	[tilespmem:s13+$0x1020 ss:$0x81] =	vst.msk $0xffff, v0;
	(pc) =	sbr.rel @p1 .LBB1_3-.Ltmp3, $4  }
0x39: {  	v0 =	vld [tilespmem:s16+$0x0];
	[tilespmem:s13+$0x0 ss:$0x81] =	vst.msk $0xffff, v1  }
0x3a: {  	s13 =	sshra.s32 s17, $0x2;
	v1 =	vld [tilespmem:s16+$0xFFFFFFE0]  }
0x3b: {  	s13 =	sadd.s32 s13, s14  }
0x3c: {  	s16 =	sadd.s32 $0x40, s16;
	[tilespmem:s13+$0x1830 ss:$0x81] =	vst.msk $0xffff, v3  }
.Ltmp4:
0x3d: {  	_ = 	snop;
	(pc) =	sbr.rel .LBB1_4-.Ltmp4, $1  }
0x3e: {  	_ =	sdelay $0x3  }
.LBB1_6:
0x3f: {  	_ =	sfence.sel $0x180000  }
0x40: {  	s2 =	simm.s32 $0x1;
	[bflag:$0x0] =	sbarrier.arrive $0xFFFF  }
0x41: {  	s31 =	simm.s32 $0x2;
	[sflag:s2] =	ssyncpa.u1 $0x1  }
0x42: {  	[sflag:s31] =	ssyncpa.u1 $0x1  }
0x43: {  	p0 =	sne.s32 s0, $0x0;
	_ =	strace $0x9000004A  }
0x44: {  	s0 =	sadd.s32 @!p0 $0x100000, s1;
	[bflag:$0x2] =	sbarrier.arrive $0xFFFF  }
0x45: {  	[sflag:s0] =	ssyncadd.tile.s32 @!p0 $0x1;
	_ =	shalt  }
.Lfunc_end1:
_tile_overlayer_lowered:
.L_overlay_start_2:
0x46: {  	(tag) =	ssettag $0x2  }
0x47: {  	s0 =	rddreg [dreg:$0x0];
	s2 =	stileid.u32  }
0x48: {  	s1 =	rddreg [dreg:$0x1];
	p0 =	sne.s32 s2, $0x0  }
0x49: {  	s3 =	rddreg [dreg:$0x2];
	[bflag:$0x3] =	sbarrier.arrive $0xFFFF;
	s2 =	simm.s32 @!p0 $0x1C01  }
0x4a: {  	[timem:s3], [sflag:s2] =	dma.local @!p0 [hbm:s0], s1  }
0x4b: {  	s0 =	simm.s32 @!p0 $0x1  }
0x4c: {  	_ =	swait.ge @!p0 [sflag:s0], s1  }
0x4d: {  	s1 =	ssub.s32 @!p0 $0x0, s1;
	[sflag:s0] =	ssyncset.done @!p0 $0x0  }
0x4e: {  	[sflag:s0] =	ssyncadd.s32 @!p0 s1  }
0x4f: {  	[bflag:$0x3] =	sbarrier.arrive $0xFFFF  }
0x50: {  	_ =	shalt  }

</sc_bundles>
